<compile_context>
chip_gen: v7x
topology: tpu7x:2x2x1
jax: 0.10.2.dev20260603
libtpu: 0.0.44.dev20260713+nightly
codegen_flags: <defaults>
</compile_context>

<pallas_src>
import functools

import jax
import jax.numpy as jnp
from jax import lax
from jax.experimental import pallas as pl
from jax.experimental.pallas import tpu as pltpu
from jax.experimental.pallas import tpu_sc as plsc

_T, _N = 2048, 32768
_BT = 64
_NW = 32
_T_SC = 256
_RPW = _T_SC // _NW
_T_TC = _T - _T_SC
_L = 16
_U = 8


def _tc_body(w_ref, x_ref, o_ref, sw_ref):
    i = pl.program_id(0)

    @pl.when(i == 0)
    def _():
        wv = w_ref[...]
        m = jnp.max(wv)
        e = jnp.exp(wv - m)
        sw_ref[...] = e / jnp.sum(e)

    o_ref[...] = jnp.sum(x_ref[...] * sw_ref[...], axis=1, keepdims=True)


_sc_mesh = plsc.VectorSubcoreMesh(core_axis_name="c", subcore_axis_name="s")


@functools.partial(
    pl.kernel,
    mesh=_sc_mesh,
    out_type=jax.ShapeDtypeStruct((_NW, _L), jnp.float32),
    scratch_types=[
        pltpu.VMEM((_N,), jnp.float32),
        pltpu.VMEM((_N,), jnp.float32),
        pltpu.VMEM((_N,), jnp.float32),
        pltpu.VMEM((_L,), jnp.float32),
        pltpu.SemaphoreType.DMA,
        pltpu.SemaphoreType.DMA,
    ],
)
def _sc_matvec(x_hbm, w_hbm, o_hbm, ebuf, xrow0, xrow1, ybuf, sem0, sem1):
    wid = lax.axis_index("s") * 2 + lax.axis_index("c")
    nchunks = _N // _L
    lane = lax.iota(jnp.int32, _L)

    def allreduce(v, op):
        for s in (1, 2, 4, 8):
            v = op(v, v.at[lane ^ s].get(mode="promise_in_bounds"))
        return v

    row0 = _T_TC + wid * _RPW
    rowbufs = [(xrow0, sem0), (xrow1, sem1)]

    def _start(r, buf, sem):
        pltpu.make_async_copy(x_hbm.at[row0 + r], buf, sem).start()

    def _wait(buf, sem):
        pltpu.make_async_copy(x_hbm.at[row0], buf, sem).wait()

    _start(0, *rowbufs[0])

    pltpu.sync_copy(w_hbm, ebuf)

    def mx_body(i, accs):
        accs = list(accs)
        base = i * (_U * _L)
        for j in range(_U):
            accs[j % 4] = jnp.maximum(accs[j % 4],
                                      ebuf[pl.ds(base + j * _L, _L)])
        return tuple(accs)

    ninf = jnp.full((_L,), -jnp.inf, jnp.float32)
    m0, m1, m2, m3 = lax.fori_loop(0, nchunks // _U, mx_body, (ninf,) * 4)
    m16 = allreduce(jnp.maximum(jnp.maximum(m0, m1), jnp.maximum(m2, m3)),
                    jnp.maximum)

    def ex_body(i, accs):
        accs = list(accs)
        base = i * (_U * _L)
        for j in range(_U):
            v = jnp.exp(ebuf[pl.ds(base + j * _L, _L)] - m16)
            ebuf[pl.ds(base + j * _L, _L)] = v
            accs[j % 4] = accs[j % 4] + v
        return tuple(accs)

    z = jnp.zeros((_L,), jnp.float32)
    s0, s1, s2, s3 = lax.fori_loop(0, nchunks // _U, ex_body, (z,) * 4)
    inv_total = 1.0 / allreduce((s0 + s1) + (s2 + s3), jnp.add)

    yvec = jnp.zeros((_L,), jnp.float32)
    for r in range(_RPW):
        buf, sem = rowbufs[r % 2]
        _wait(buf, sem)
        if r + 1 < _RPW:
            _start(r + 1, *rowbufs[(r + 1) % 2])

        def dot_body(i, accs, buf=buf):
            accs = list(accs)
            base = i * (_U * _L)
            for j in range(_U):
                o = base + j * _L
                accs[j % 4] = accs[j % 4] + (
                    buf[pl.ds(o, _L)] * ebuf[pl.ds(o, _L)])
            return tuple(accs)

        a0, a1, a2, a3 = lax.fori_loop(0, nchunks // _U, dot_body, (z,) * 4)
        a16 = (a0 + a1) + (a2 + a3)
        yvec = jnp.where(lane == r, allreduce(a16, jnp.add) * inv_total, yvec)

    ybuf[...] = yvec
    pltpu.sync_copy(ybuf, o_hbm.at[wid])


def kernel(x, w, k):
    del k
    t, n = x.shape

    y_tc = pl.pallas_call(
        _tc_body,
        grid=(_T_TC // _BT,),
        in_specs=[
            pl.BlockSpec((1, n), lambda i: (0, 0)),
            pl.BlockSpec((_BT, n), lambda i: (i, 0)),
        ],
        out_specs=pl.BlockSpec((_BT, 1), lambda i: (i, 0)),
        out_shape=jax.ShapeDtypeStruct((_T_TC, 1), jnp.float32),
        scratch_shapes=[pltpu.VMEM((1, n), jnp.float32)],
    )(w.reshape(1, n), x)

    y_sc = _sc_matvec(x, w)[:, :_RPW].reshape(_T_SC)
    return jnp.concatenate([y_tc.reshape(_T_TC), y_sc])

# --- scband reference (transcript-rebuilt; emitter-appended) ---
"""Pipeline reference for scband-model-53463752901201 (READ-ONLY COPY).

The authoritative reference and input builder live on the scoring server;
editing this copy changes nothing except your own understanding.
"""

import jax, jax.numpy as jnp
import numpy as np

T, N = 2048, 32768

def setup_inputs(seed: int = 0) -> dict:
    key = jax.random.key(seed)
    k1, k2 = jax.random.split(key)
    x = jax.random.normal(k1, (T, N), dtype=jnp.float32)
    # Learned parameter w: module initializes to 1/n for all non-NaN assets.
    # Add small perturbation (as after a training step) so top_k is non-degenerate.
    w = jnp.ones((N,), dtype=jnp.float32) / N + 0.01 * jax.random.normal(k2, (N,), dtype=jnp.float32)
    # Learned scalar k: module initializes it to n (use full universe via topk path).
    k = N
    return {"x": x, "w": w, "k": k}

def reference(x, w, k):
    # use_k=True path: k = round(self.k.item())
    kk = w.shape[0]
    w = w + jnp.asarray(k, dtype=w.dtype) * jnp.zeros((), dtype=w.dtype)
    w_k, idx = jax.lax.top_k(w, kk)          # torch.topk(self.w, k)
    w_k = jax.nn.softmax(w_k, axis=0)        # F.softmax(w_k, dim=0)
    x_k = jnp.take(x, idx, axis=1)           # x[:, idx]  (column gather)
    y_pred = x_k @ w_k                       # torch.matmul(x_k, w_k) -> shape (t,)
    return y_pred

if __name__ == "__main__":
    import jax
    _d = setup_inputs()
    print(jax.jit(kernel)(*tuple(_d.values())))

</pallas_src>

<mosaic_0001>
#map = affine_map<(d0, d1) -> (0, 0)>
#map1 = affine_map<(d0, d1) -> (0)>
module attributes {stable_mosaic.version = 14 : i64} {
  func.func @_sc_matvec(%arg0: i32, %arg1: i32, %arg2: memref<2048x32768xf32, #tpu.memory_space<hbm>>, %arg3: memref<32768xf32, #tpu.memory_space<hbm>>, %arg4: memref<32x16xf32, #tpu.memory_space<hbm>>, %arg5: memref<32768xf32, #tpu.memory_space<vmem>>, %arg6: memref<32768xf32, #tpu.memory_space<vmem>>, %arg7: memref<32768xf32, #tpu.memory_space<vmem>>, %arg8: memref<16xf32, #tpu.memory_space<vmem>>, %arg9: memref<!tpu.dma_semaphore, #tpu.memory_space<semaphore_mem>>, %arg10: memref<!tpu.dma_semaphore, #tpu.memory_space<semaphore_mem>>) attributes {dimension_semantics = [#tpu.dimension_semantics<core_parallel>, #tpu.dimension_semantics<subcore_parallel>], iteration_bounds = array<i64: 2, 16>, scalar_prefetch = 0 : i64, scratch_operands = 6 : i64, tpu.core_type = #tpu.core_type<sc_vector_subcore>, window_params = [{transform_indices = #map}, {transform_indices = #map1}, {transform_indices = #map}]} {
    %mul3A = arith.constant 2 : i32
    %mul3A_0 = arith.muli %arg1, %mul3A : i32
    %add3A = arith.addi %mul3A_0, %arg0 : i32
    %iota3A = tpu.iota {dimensions = array<i32: 0>} : vector<16xi32>
    %mul3A_1 = arith.constant 8 : i32
    %mul3A_2 = arith.muli %add3A, %mul3A_1 : i32
    %add3A_3 = arith.constant 1792 : i32
    %add3A_4 = arith.addi %add3A_3, %mul3A_2 : i32
    %add3A_5 = arith.constant 0 : i32
    %add3A_6 = arith.addi %add3A_4, %add3A_5 : i32
    %dma_start3A = arith.constant 0 : i32
    %dma_start3A_7 = tpu.memref_slice %arg2[%add3A_6, %dma_start3A] : memref<2048x32768xf32, #tpu.memory_space<hbm>> -> memref<1x32768xf32, #tpu.memory_space<hbm>>
    %dma_start3A_8 = tpu.memref_squeeze %dma_start3A_7 : memref<1x32768xf32, #tpu.memory_space<hbm>> -> memref<32768xf32, #tpu.memory_space<hbm>>
    %dma_start3A_9 = arith.constant 0 : i32
    %dma_start3A_10 = tpu.memref_slice %arg2[%add3A_6, %dma_start3A_9] : memref<2048x32768xf32, #tpu.memory_space<hbm>> -> memref<1x32768xf32, #tpu.memory_space<hbm>>
    %dma_start3A_11 = tpu.memref_squeeze %dma_start3A_10 : memref<1x32768xf32, #tpu.memory_space<hbm>> -> memref<32768xf32, #tpu.memory_space<hbm>>
    tpu.enqueue_dma source(%dma_start3A_11 : memref<32768xf32, #tpu.memory_space<hbm>>) target(%arg6 : memref<32768xf32, #tpu.memory_space<vmem>>) target_semaphore(%arg9 : memref<!tpu.dma_semaphore, #tpu.memory_space<semaphore_mem>>)
    "tpu.region"() ({
      %run_scoped3A = tpu.sem_alloc : memref<!tpu.dma_semaphore, #tpu.memory_space<semaphore_mem>>
      tpu.enqueue_dma source(%arg3 : memref<32768xf32, #tpu.memory_space<hbm>>) target(%arg5 : memref<32768xf32, #tpu.memory_space<vmem>>) target_semaphore(%run_scoped3A : memref<!tpu.dma_semaphore, #tpu.memory_space<semaphore_mem>>)
      tpu.wait_dma2 semaphore(%run_scoped3A : memref<!tpu.dma_semaphore, #tpu.memory_space<semaphore_mem>>) src(%arg3 : memref<32768xf32, #tpu.memory_space<hbm>>) dst(%arg5 : memref<32768xf32, #tpu.memory_space<vmem>>)
      tpu.yield
    }) : () -> ()
    %broadcast_in_dim3A = arith.constant 0xFF800000 : f32
    %broadcast_in_dim3A_12 = vector.broadcast %broadcast_in_dim3A : f32 to vector<16xf32>
    %scan3A = arith.constant 0 : i32
    %scan3A_13 = arith.constant 256 : i32
    %scan3A_14 = arith.addi %scan3A, %scan3A_13 : i32
    %scan3A_15 = arith.constant 1 : i32
    %scan3A_16:4 = scf.for %scan3A_808 = %scan3A to %scan3A_14 step %scan3A_15 iter_args(%scan3A_809 = %broadcast_in_dim3A_12, %scan3A_810 = %broadcast_in_dim3A_12, %scan3A_811 = %broadcast_in_dim3A_12, %scan3A_812 = %broadcast_in_dim3A_12) -> (vector<16xf32>, vector<16xf32>, vector<16xf32>, vector<16xf32>)  : i32 {
      %mul3A_813 = arith.constant 128 : i32
      %mul3A_814 = arith.muli %scan3A_808, %mul3A_813 : i32
      %add3A_815 = arith.constant 0 : i32
      %add3A_816 = arith.addi %mul3A_814, %add3A_815 : i32
      %get3A = arith.index_cast %add3A_816 : i32 to index
      %get3A_817 = tpu.vector_load %arg5[%get3A] {strides = array<i32>} : memref<32768xf32, #tpu.memory_space<vmem>>, vector<16xf32>,
      %get3A_818 = vector.shape_cast %get3A_817 : vector<16xf32> to vector<16xf32>
      %max3A_819 = arith.maximumf %scan3A_809, %get3A_818 : vector<16xf32>
      %add3A_820 = arith.constant 16 : i32
      %add3A_821 = arith.addi %mul3A_814, %add3A_820 : i32
      %get3A_822 = arith.index_cast %add3A_821 : i32 to index
      %get3A_823 = tpu.vector_load %arg5[%get3A_822] {strides = array<i32>} : memref<32768xf32, #tpu.memory_space<vmem>>, vector<16xf32>,
      %get3A_824 = vector.shape_cast %get3A_823 : vector<16xf32> to vector<16xf32>
      %max3A_825 = arith.maximumf %scan3A_810, %get3A_824 : vector<16xf32>
      %add3A_826 = arith.constant 32 : i32
      %add3A_827 = arith.addi %mul3A_814, %add3A_826 : i32
      %get3A_828 = arith.index_cast %add3A_827 : i32 to index
      %get3A_829 = tpu.vector_load %arg5[%get3A_828] {strides = array<i32>} : memref<32768xf32, #tpu.memory_space<vmem>>, vector<16xf32>,
      %get3A_830 = vector.shape_cast %get3A_829 : vector<16xf32> to vector<16xf32>
      %max3A_831 = arith.maximumf %scan3A_811, %get3A_830 : vector<16xf32>
      %add3A_832 = arith.constant 48 : i32
      %add3A_833 = arith.addi %mul3A_814, %add3A_832 : i32
      %get3A_834 = arith.index_cast %add3A_833 : i32 to index
      %get3A_835 = tpu.vector_load %arg5[%get3A_834] {strides = array<i32>} : memref<32768xf32, #tpu.memory_space<vmem>>, vector<16xf32>,
      %get3A_836 = vector.shape_cast %get3A_835 : vector<16xf32> to vector<16xf32>
      %max3A_837 = arith.maximumf %scan3A_812, %get3A_836 : vector<16xf32>
      %add3A_838 = arith.constant 64 : i32
      %add3A_839 = arith.addi %mul3A_814, %add3A_838 : i32
      %get3A_840 = arith.index_cast %add3A_839 : i32 to index
      %get3A_841 = tpu.vector_load %arg5[%get3A_840] {strides = array<i32>} : memref<32768xf32, #tpu.memory_space<vmem>>, vector<16xf32>,
      %get3A_842 = vector.shape_cast %get3A_841 : vector<16xf32> to vector<16xf32>
      %max3A_843 = arith.maximumf %max3A_819, %get3A_842 : vector<16xf32>
      %add3A_844 = arith.constant 80 : i32
      %add3A_845 = arith.addi %mul3A_814, %add3A_844 : i32
      %get3A_846 = arith.index_cast %add3A_845 : i32 to index
      %get3A_847 = tpu.vector_load %arg5[%get3A_846] {strides = array<i32>} : memref<32768xf32, #tpu.memory_space<vmem>>, vector<16xf32>,
      %get3A_848 = vector.shape_cast %get3A_847 : vector<16xf32> to vector<16xf32>
      %max3A_849 = arith.maximumf %max3A_825, %get3A_848 : vector<16xf32>
      %add3A_850 = arith.constant 96 : i32
      %add3A_851 = arith.addi %mul3A_814, %add3A_850 : i32
      %get3A_852 = arith.index_cast %add3A_851 : i32 to index
      %get3A_853 = tpu.vector_load %arg5[%get3A_852] {strides = array<i32>} : memref<32768xf32, #tpu.memory_space<vmem>>, vector<16xf32>,
      %get3A_854 = vector.shape_cast %get3A_853 : vector<16xf32> to vector<16xf32>
      %max3A_855 = arith.maximumf %max3A_831, %get3A_854 : vector<16xf32>
      %add3A_856 = arith.constant 112 : i32
      %add3A_857 = arith.addi %mul3A_814, %add3A_856 : i32
      %get3A_858 = arith.index_cast %add3A_857 : i32 to index
      %get3A_859 = tpu.vector_load %arg5[%get3A_858] {strides = array<i32>} : memref<32768xf32, #tpu.memory_space<vmem>>, vector<16xf32>,
      %get3A_860 = vector.shape_cast %get3A_859 : vector<16xf32> to vector<16xf32>
      %max3A_861 = arith.maximumf %max3A_837, %get3A_860 : vector<16xf32>
      scf.yield %max3A_843, %max3A_849, %max3A_855, %max3A_861 : vector<16xf32>, vector<16xf32>, vector<16xf32>, vector<16xf32>
    }
    %scan3A_17 = arith.constant 256 : i32
    %max3A = arith.maximumf %scan3A_16#0, %scan3A_16#1 : vector<16xf32>
    %max3A_18 = arith.maximumf %scan3A_16#2, %scan3A_16#3 : vector<16xf32>
    %max3A_19 = arith.maximumf %max3A, %max3A_18 : vector<16xf32>
    %xor3A = arith.constant 1 : i32
    %xor3A_20 = vector.broadcast %xor3A : i32 to vector<16xi32>
    %xor3A_21 = arith.xori %iota3A, %xor3A_20 : vector<16xi32>
    %lt3A = arith.constant 0 : i32
    %lt3A_22 = vector.broadcast %lt3A : i32 to vector<16xi32>
    %lt3A_23 = arith.cmpi slt, %xor3A_21, %lt3A_22 : vector<16xi32>
    %add3A_24 = arith.constant 16 : i32
    %add3A_25 = vector.broadcast %add3A_24 : i32 to vector<16xi32>
    %add3A_26 = arith.addi %xor3A_21, %add3A_25 : vector<16xi32>
    %select_n3A = arith.select %lt3A_23, %add3A_26, %xor3A_21 : vector<16xi1>, vector<16xi32>
    %broadcast_in_dim3A_27 = vector.shape_cast %select_n3A : vector<16xi32> to vector<16x1xi32>
    %gather3A = vector.shape_cast %broadcast_in_dim3A_27 : vector<16x1xi32> to vector<16xi32>
    %gather3A_28 = tpu.dynamic_gather %max3A_19[%gather3A] in [0] : vector<16xf32>, vector<16xi32> -> vector<16xf32>
    %max3A_29 = arith.maximumf %max3A_19, %gather3A_28 : vector<16xf32>
    %xor3A_30 = arith.constant 2 : i32
    %xor3A_31 = vector.broadcast %xor3A_30 : i32 to vector<16xi32>
    %xor3A_32 = arith.xori %iota3A, %xor3A_31 : vector<16xi32>
    %lt3A_33 = arith.constant 0 : i32
    %lt3A_34 = vector.broadcast %lt3A_33 : i32 to vector<16xi32>
    %lt3A_35 = arith.cmpi slt, %xor3A_32, %lt3A_34 : vector<16xi32>
    %add3A_36 = arith.constant 16 : i32
    %add3A_37 = vector.broadcast %add3A_36 : i32 to vector<16xi32>
    %add3A_38 = arith.addi %xor3A_32, %add3A_37 : vector<16xi32>
    %select_n3A_39 = arith.select %lt3A_35, %add3A_38, %xor3A_32 : vector<16xi1>, vector<16xi32>
    %broadcast_in_dim3A_40 = vector.shape_cast %select_n3A_39 : vector<16xi32> to vector<16x1xi32>
    %gather3A_41 = vector.shape_cast %broadcast_in_dim3A_40 : vector<16x1xi32> to vector<16xi32>
    %gather3A_42 = tpu.dynamic_gather %max3A_29[%gather3A_41] in [0] : vector<16xf32>, vector<16xi32> -> vector<16xf32>
    %max3A_43 = arith.maximumf %max3A_29, %gather3A_42 : vector<16xf32>
    %xor3A_44 = arith.constant 4 : i32
    %xor3A_45 = vector.broadcast %xor3A_44 : i32 to vector<16xi32>
    %xor3A_46 = arith.xori %iota3A, %xor3A_45 : vector<16xi32>
    %lt3A_47 = arith.constant 0 : i32
    %lt3A_48 = vector.broadcast %lt3A_47 : i32 to vector<16xi32>
    %lt3A_49 = arith.cmpi slt, %xor3A_46, %lt3A_48 : vector<16xi32>
    %add3A_50 = arith.constant 16 : i32
    %add3A_51 = vector.broadcast %add3A_50 : i32 to vector<16xi32>
    %add3A_52 = arith.addi %xor3A_46, %add3A_51 : vector<16xi32>
    %select_n3A_53 = arith.select %lt3A_49, %add3A_52, %xor3A_46 : vector<16xi1>, vector<16xi32>
    %broadcast_in_dim3A_54 = vector.shape_cast %select_n3A_53 : vector<16xi32> to vector<16x1xi32>
    %gather3A_55 = vector.shape_cast %broadcast_in_dim3A_54 : vector<16x1xi32> to vector<16xi32>
    %gather3A_56 = tpu.dynamic_gather %max3A_43[%gather3A_55] in [0] : vector<16xf32>, vector<16xi32> -> vector<16xf32>
    %max3A_57 = arith.maximumf %max3A_43, %gather3A_56 : vector<16xf32>
    %xor3A_58 = arith.constant 8 : i32
    %xor3A_59 = vector.broadcast %xor3A_58 : i32 to vector<16xi32>
    %xor3A_60 = arith.xori %iota3A, %xor3A_59 : vector<16xi32>
    %lt3A_61 = arith.constant 0 : i32
    %lt3A_62 = vector.broadcast %lt3A_61 : i32 to vector<16xi32>
    %lt3A_63 = arith.cmpi slt, %xor3A_60, %lt3A_62 : vector<16xi32>
    %add3A_64 = arith.constant 16 : i32
    %add3A_65 = vector.broadcast %add3A_64 : i32 to vector<16xi32>
    %add3A_66 = arith.addi %xor3A_60, %add3A_65 : vector<16xi32>
    %select_n3A_67 = arith.select %lt3A_63, %add3A_66, %xor3A_60 : vector<16xi1>, vector<16xi32>
    %broadcast_in_dim3A_68 = vector.shape_cast %select_n3A_67 : vector<16xi32> to vector<16x1xi32>
    %gather3A_69 = vector.shape_cast %broadcast_in_dim3A_68 : vector<16x1xi32> to vector<16xi32>
    %gather3A_70 = tpu.dynamic_gather %max3A_57[%gather3A_69] in [0] : vector<16xf32>, vector<16xi32> -> vector<16xf32>
    %max3A_71 = arith.maximumf %max3A_57, %gather3A_70 : vector<16xf32>
    %broadcast_in_dim3A_72 = arith.constant 0.000000e+00 : f32
    %broadcast_in_dim3A_73 = vector.broadcast %broadcast_in_dim3A_72 : f32 to vector<16xf32>
    %scan3A_74 = arith.constant 0 : i32
    %scan3A_75 = arith.constant 256 : i32
    %scan3A_76 = arith.addi %scan3A_74, %scan3A_75 : i32
    %scan3A_77 = arith.constant 1 : i32
    %scan3A_78:4 = scf.for %scan3A_808 = %scan3A_74 to %scan3A_76 step %scan3A_77 iter_args(%scan3A_809 = %broadcast_in_dim3A_73, %scan3A_810 = %broadcast_in_dim3A_73, %scan3A_811 = %broadcast_in_dim3A_73, %scan3A_812 = %broadcast_in_dim3A_73) -> (vector<16xf32>, vector<16xf32>, vector<16xf32>, vector<16xf32>)  : i32 {
      %mul3A_813 = arith.constant 128 : i32
      %mul3A_814 = arith.muli %scan3A_808, %mul3A_813 : i32
      %add3A_815 = arith.constant 0 : i32
      %add3A_816 = arith.addi %mul3A_814, %add3A_815 : i32
      %get3A = arith.index_cast %add3A_816 : i32 to index
      %get3A_817 = tpu.vector_load %arg5[%get3A] {strides = array<i32>} : memref<32768xf32, #tpu.memory_space<vmem>>, vector<16xf32>,
      %get3A_818 = vector.shape_cast %get3A_817 : vector<16xf32> to vector<16xf32>
      %sub3A = arith.subf %get3A_818, %max3A_71 : vector<16xf32>
      %exp3A = math.exp %sub3A : vector<16xf32>
      %add3A_819 = arith.constant 0 : i32
      %add3A_820 = arith.addi %mul3A_814, %add3A_819 : i32
      %swap3A_821 = arith.index_cast %add3A_820 : i32 to index
      %swap3A_822 = tpu.vector_load %arg5[%swap3A_821] {strides = array<i32>} : memref<32768xf32, #tpu.memory_space<vmem>>, vector<16xf32>,
      %swap3A_823 = vector.shape_cast %swap3A_822 : vector<16xf32> to vector<16xf32>
      %swap3A_824 = vector.shape_cast %exp3A : vector<16xf32> to vector<16xf32>
      tpu.vector_store %arg5[%swap3A_821], %swap3A_824 {strides = array<i32>} : memref<32768xf32, #tpu.memory_space<vmem>>, vector<16xf32>,
      %add3A_825 = arith.addf %scan3A_809, %exp3A : vector<16xf32>
      %add3A_826 = arith.constant 16 : i32
      %add3A_827 = arith.addi %mul3A_814, %add3A_826 : i32
      %get3A_828 = arith.index_cast %add3A_827 : i32 to index
      %get3A_829 = tpu.vector_load %arg5[%get3A_828] {strides = array<i32>} : memref<32768xf32, #tpu.memory_space<vmem>>, vector<16xf32>,
      %get3A_830 = vector.shape_cast %get3A_829 : vector<16xf32> to vector<16xf32>
      %sub3A_831 = arith.subf %get3A_830, %max3A_71 : vector<16xf32>
      %exp3A_832 = math.exp %sub3A_831 : vector<16xf32>
      %add3A_833 = arith.constant 16 : i32
      %add3A_834 = arith.addi %mul3A_814, %add3A_833 : i32
      %swap3A_835 = arith.index_cast %add3A_834 : i32 to index
      %swap3A_836 = tpu.vector_load %arg5[%swap3A_835] {strides = array<i32>} : memref<32768xf32, #tpu.memory_space<vmem>>, vector<16xf32>,
      %swap3A_837 = vector.shape_cast %swap3A_836 : vector<16xf32> to vector<16xf32>
      %swap3A_838 = vector.shape_cast %exp3A_832 : vector<16xf32> to vector<16xf32>
      tpu.vector_store %arg5[%swap3A_835], %swap3A_838 {strides = array<i32>} : memref<32768xf32, #tpu.memory_space<vmem>>, vector<16xf32>,
      %add3A_839 = arith.addf %scan3A_810, %exp3A_832 : vector<16xf32>
      %add3A_840 = arith.constant 32 : i32
      %add3A_841 = arith.addi %mul3A_814, %add3A_840 : i32
      %get3A_842 = arith.index_cast %add3A_841 : i32 to index
      %get3A_843 = tpu.vector_load %arg5[%get3A_842] {strides = array<i32>} : memref<32768xf32, #tpu.memory_space<vmem>>, vector<16xf32>,
      %get3A_844 = vector.shape_cast %get3A_843 : vector<16xf32> to vector<16xf32>
      %sub3A_845 = arith.subf %get3A_844, %max3A_71 : vector<16xf32>
      %exp3A_846 = math.exp %sub3A_845 : vector<16xf32>
      %add3A_847 = arith.constant 32 : i32
      %add3A_848 = arith.addi %mul3A_814, %add3A_847 : i32
      %swap3A_849 = arith.index_cast %add3A_848 : i32 to index
      %swap3A_850 = tpu.vector_load %arg5[%swap3A_849] {strides = array<i32>} : memref<32768xf32, #tpu.memory_space<vmem>>, vector<16xf32>,
      %swap3A_851 = vector.shape_cast %swap3A_850 : vector<16xf32> to vector<16xf32>
      %swap3A_852 = vector.shape_cast %exp3A_846 : vector<16xf32> to vector<16xf32>
      tpu.vector_store %arg5[%swap3A_849], %swap3A_852 {strides = array<i32>} : memref<32768xf32, #tpu.memory_space<vmem>>, vector<16xf32>,
      %add3A_853 = arith.addf %scan3A_811, %exp3A_846 : vector<16xf32>
      %add3A_854 = arith.constant 48 : i32
      %add3A_855 = arith.addi %mul3A_814, %add3A_854 : i32
      %get3A_856 = arith.index_cast %add3A_855 : i32 to index
      %get3A_857 = tpu.vector_load %arg5[%get3A_856] {strides = array<i32>} : memref<32768xf32, #tpu.memory_space<vmem>>, vector<16xf32>,
      %get3A_858 = vector.shape_cast %get3A_857 : vector<16xf32> to vector<16xf32>
      %sub3A_859 = arith.subf %get3A_858, %max3A_71 : vector<16xf32>
      %exp3A_860 = math.exp %sub3A_859 : vector<16xf32>
      %add3A_861 = arith.constant 48 : i32
      %add3A_862 = arith.addi %mul3A_814, %add3A_861 : i32
      %swap3A_863 = arith.index_cast %add3A_862 : i32 to index
      %swap3A_864 = tpu.vector_load %arg5[%swap3A_863] {strides = array<i32>} : memref<32768xf32, #tpu.memory_space<vmem>>, vector<16xf32>,
      %swap3A_865 = vector.shape_cast %swap3A_864 : vector<16xf32> to vector<16xf32>
      %swap3A_866 = vector.shape_cast %exp3A_860 : vector<16xf32> to vector<16xf32>
      tpu.vector_store %arg5[%swap3A_863], %swap3A_866 {strides = array<i32>} : memref<32768xf32, #tpu.memory_space<vmem>>, vector<16xf32>,
      %add3A_867 = arith.addf %scan3A_812, %exp3A_860 : vector<16xf32>
      %add3A_868 = arith.constant 64 : i32
      %add3A_869 = arith.addi %mul3A_814, %add3A_868 : i32
      %get3A_870 = arith.index_cast %add3A_869 : i32 to index
      %get3A_871 = tpu.vector_load %arg5[%get3A_870] {strides = array<i32>} : memref<32768xf32, #tpu.memory_space<vmem>>, vector<16xf32>,
      %get3A_872 = vector.shape_cast %get3A_871 : vector<16xf32> to vector<16xf32>
      %sub3A_873 = arith.subf %get3A_872, %max3A_71 : vector<16xf32>
      %exp3A_874 = math.exp %sub3A_873 : vector<16xf32>
      %add3A_875 = arith.constant 64 : i32
      %add3A_876 = arith.addi %mul3A_814, %add3A_875 : i32
      %swap3A_877 = arith.index_cast %add3A_876 : i32 to index
      %swap3A_878 = tpu.vector_load %arg5[%swap3A_877] {strides = array<i32>} : memref<32768xf32, #tpu.memory_space<vmem>>, vector<16xf32>,
      %swap3A_879 = vector.shape_cast %swap3A_878 : vector<16xf32> to vector<16xf32>
      %swap3A_880 = vector.shape_cast %exp3A_874 : vector<16xf32> to vector<16xf32>
      tpu.vector_store %arg5[%swap3A_877], %swap3A_880 {strides = array<i32>} : memref<32768xf32, #tpu.memory_space<vmem>>, vector<16xf32>,
      %add3A_881 = arith.addf %add3A_825, %exp3A_874 : vector<16xf32>
      %add3A_882 = arith.constant 80 : i32
      %add3A_883 = arith.addi %mul3A_814, %add3A_882 : i32
      %get3A_884 = arith.index_cast %add3A_883 : i32 to index
      %get3A_885 = tpu.vector_load %arg5[%get3A_884] {strides = array<i32>} : memref<32768xf32, #tpu.memory_space<vmem>>, vector<16xf32>,
      %get3A_886 = vector.shape_cast %get3A_885 : vector<16xf32> to vector<16xf32>
      %sub3A_887 = arith.subf %get3A_886, %max3A_71 : vector<16xf32>
      %exp3A_888 = math.exp %sub3A_887 : vector<16xf32>
      %add3A_889 = arith.constant 80 : i32
      %add3A_890 = arith.addi %mul3A_814, %add3A_889 : i32
      %swap3A_891 = arith.index_cast %add3A_890 : i32 to index
      %swap3A_892 = tpu.vector_load %arg5[%swap3A_891] {strides = array<i32>} : memref<32768xf32, #tpu.memory_space<vmem>>, vector<16xf32>,
      %swap3A_893 = vector.shape_cast %swap3A_892 : vector<16xf32> to vector<16xf32>
      %swap3A_894 = vector.shape_cast %exp3A_888 : vector<16xf32> to vector<16xf32>
      tpu.vector_store %arg5[%swap3A_891], %swap3A_894 {strides = array<i32>} : memref<32768xf32, #tpu.memory_space<vmem>>, vector<16xf32>,
      %add3A_895 = arith.addf %add3A_839, %exp3A_888 : vector<16xf32>
      %add3A_896 = arith.constant 96 : i32
      %add3A_897 = arith.addi %mul3A_814, %add3A_896 : i32
      %get3A_898 = arith.index_cast %add3A_897 : i32 to index
      %get3A_899 = tpu.vector_load %arg5[%get3A_898] {strides = array<i32>} : memref<32768xf32, #tpu.memory_space<vmem>>, vector<16xf32>,
      %get3A_900 = vector.shape_cast %get3A_899 : vector<16xf32> to vector<16xf32>
      %sub3A_901 = arith.subf %get3A_900, %max3A_71 : vector<16xf32>
      %exp3A_902 = math.exp %sub3A_901 : vector<16xf32>
      %add3A_903 = arith.constant 96 : i32
      %add3A_904 = arith.addi %mul3A_814, %add3A_903 : i32
      %swap3A_905 = arith.index_cast %add3A_904 : i32 to index
      %swap3A_906 = tpu.vector_load %arg5[%swap3A_905] {strides = array<i32>} : memref<32768xf32, #tpu.memory_space<vmem>>, vector<16xf32>,
      %swap3A_907 = vector.shape_cast %swap3A_906 : vector<16xf32> to vector<16xf32>
      %swap3A_908 = vector.shape_cast %exp3A_902 : vector<16xf32> to vector<16xf32>
      tpu.vector_store %arg5[%swap3A_905], %swap3A_908 {strides = array<i32>} : memref<32768xf32, #tpu.memory_space<vmem>>, vector<16xf32>,
      %add3A_909 = arith.addf %add3A_853, %exp3A_902 : vector<16xf32>
      %add3A_910 = arith.constant 112 : i32
      %add3A_911 = arith.addi %mul3A_814, %add3A_910 : i32
      %get3A_912 = arith.index_cast %add3A_911 : i32 to index
      %get3A_913 = tpu.vector_load %arg5[%get3A_912] {strides = array<i32>} : memref<32768xf32, #tpu.memory_space<vmem>>, vector<16xf32>,
      %get3A_914 = vector.shape_cast %get3A_913 : vector<16xf32> to vector<16xf32>
      %sub3A_915 = arith.subf %get3A_914, %max3A_71 : vector<16xf32>
      %exp3A_916 = math.exp %sub3A_915 : vector<16xf32>
      %add3A_917 = arith.constant 112 : i32
      %add3A_918 = arith.addi %mul3A_814, %add3A_917 : i32
      %swap3A_919 = arith.index_cast %add3A_918 : i32 to index
      %swap3A_920 = tpu.vector_load %arg5[%swap3A_919] {strides = array<i32>} : memref<32768xf32, #tpu.memory_space<vmem>>, vector<16xf32>,
      %swap3A_921 = vector.shape_cast %swap3A_920 : vector<16xf32> to vector<16xf32>
      %swap3A_922 = vector.shape_cast %exp3A_916 : vector<16xf32> to vector<16xf32>
      tpu.vector_store %arg5[%swap3A_919], %swap3A_922 {strides = array<i32>} : memref<32768xf32, #tpu.memory_space<vmem>>, vector<16xf32>,
      %add3A_923 = arith.addf %add3A_867, %exp3A_916 : vector<16xf32>
      scf.yield %add3A_881, %add3A_895, %add3A_909, %add3A_923 : vector<16xf32>, vector<16xf32>, vector<16xf32>, vector<16xf32>
    }
    %scan3A_79 = arith.constant 256 : i32
    %add3A_80 = arith.addf %scan3A_78#0, %scan3A_78#1 : vector<16xf32>
    %add3A_81 = arith.addf %scan3A_78#2, %scan3A_78#3 : vector<16xf32>
    %add3A_82 = arith.addf %add3A_80, %add3A_81 : vector<16xf32>
    %xor3A_83 = arith.constant 1 : i32
    %xor3A_84 = vector.broadcast %xor3A_83 : i32 to vector<16xi32>
    %xor3A_85 = arith.xori %iota3A, %xor3A_84 : vector<16xi32>
    %lt3A_86 = arith.constant 0 : i32
    %lt3A_87 = vector.broadcast %lt3A_86 : i32 to vector<16xi32>
    %lt3A_88 = arith.cmpi slt, %xor3A_85, %lt3A_87 : vector<16xi32>
    %add3A_89 = arith.constant 16 : i32
    %add3A_90 = vector.broadcast %add3A_89 : i32 to vector<16xi32>
    %add3A_91 = arith.addi %xor3A_85, %add3A_90 : vector<16xi32>
    %select_n3A_92 = arith.select %lt3A_88, %add3A_91, %xor3A_85 : vector<16xi1>, vector<16xi32>
    %broadcast_in_dim3A_93 = vector.shape_cast %select_n3A_92 : vector<16xi32> to vector<16x1xi32>
    %gather3A_94 = vector.shape_cast %broadcast_in_dim3A_93 : vector<16x1xi32> to vector<16xi32>
    %gather3A_95 = tpu.dynamic_gather %add3A_82[%gather3A_94] in [0] : vector<16xf32>, vector<16xi32> -> vector<16xf32>
    %add3A_96 = arith.addf %add3A_82, %gather3A_95 : vector<16xf32>
    %xor3A_97 = arith.constant 2 : i32
    %xor3A_98 = vector.broadcast %xor3A_97 : i32 to vector<16xi32>
    %xor3A_99 = arith.xori %iota3A, %xor3A_98 : vector<16xi32>
    %lt3A_100 = arith.constant 0 : i32
    %lt3A_101 = vector.broadcast %lt3A_100 : i32 to vector<16xi32>
    %lt3A_102 = arith.cmpi slt, %xor3A_99, %lt3A_101 : vector<16xi32>
    %add3A_103 = arith.constant 16 : i32
    %add3A_104 = vector.broadcast %add3A_103 : i32 to vector<16xi32>
    %add3A_105 = arith.addi %xor3A_99, %add3A_104 : vector<16xi32>
    %select_n3A_106 = arith.select %lt3A_102, %add3A_105, %xor3A_99 : vector<16xi1>, vector<16xi32>
    %broadcast_in_dim3A_107 = vector.shape_cast %select_n3A_106 : vector<16xi32> to vector<16x1xi32>
    %gather3A_108 = vector.shape_cast %broadcast_in_dim3A_107 : vector<16x1xi32> to vector<16xi32>
    %gather3A_109 = tpu.dynamic_gather %add3A_96[%gather3A_108] in [0] : vector<16xf32>, vector<16xi32> -> vector<16xf32>
    %add3A_110 = arith.addf %add3A_96, %gather3A_109 : vector<16xf32>
    %xor3A_111 = arith.constant 4 : i32
    %xor3A_112 = vector.broadcast %xor3A_111 : i32 to vector<16xi32>
    %xor3A_113 = arith.xori %iota3A, %xor3A_112 : vector<16xi32>
    %lt3A_114 = arith.constant 0 : i32
    %lt3A_115 = vector.broadcast %lt3A_114 : i32 to vector<16xi32>
    %lt3A_116 = arith.cmpi slt, %xor3A_113, %lt3A_115 : vector<16xi32>
    %add3A_117 = arith.constant 16 : i32
    %add3A_118 = vector.broadcast %add3A_117 : i32 to vector<16xi32>
    %add3A_119 = arith.addi %xor3A_113, %add3A_118 : vector<16xi32>
    %select_n3A_120 = arith.select %lt3A_116, %add3A_119, %xor3A_113 : vector<16xi1>, vector<16xi32>
    %broadcast_in_dim3A_121 = vector.shape_cast %select_n3A_120 : vector<16xi32> to vector<16x1xi32>
    %gather3A_122 = vector.shape_cast %broadcast_in_dim3A_121 : vector<16x1xi32> to vector<16xi32>
    %gather3A_123 = tpu.dynamic_gather %add3A_110[%gather3A_122] in [0] : vector<16xf32>, vector<16xi32> -> vector<16xf32>
    %add3A_124 = arith.addf %add3A_110, %gather3A_123 : vector<16xf32>
    %xor3A_125 = arith.constant 8 : i32
    %xor3A_126 = vector.broadcast %xor3A_125 : i32 to vector<16xi32>
    %xor3A_127 = arith.xori %iota3A, %xor3A_126 : vector<16xi32>
    %lt3A_128 = arith.constant 0 : i32
    %lt3A_129 = vector.broadcast %lt3A_128 : i32 to vector<16xi32>
    %lt3A_130 = arith.cmpi slt, %xor3A_127, %lt3A_129 : vector<16xi32>
    %add3A_131 = arith.constant 16 : i32
    %add3A_132 = vector.broadcast %add3A_131 : i32 to vector<16xi32>
    %add3A_133 = arith.addi %xor3A_127, %add3A_132 : vector<16xi32>
    %select_n3A_134 = arith.select %lt3A_130, %add3A_133, %xor3A_127 : vector<16xi1>, vector<16xi32>
    %broadcast_in_dim3A_135 = vector.shape_cast %select_n3A_134 : vector<16xi32> to vector<16x1xi32>
    %gather3A_136 = vector.shape_cast %broadcast_in_dim3A_135 : vector<16x1xi32> to vector<16xi32>
    %gather3A_137 = tpu.dynamic_gather %add3A_124[%gather3A_136] in [0] : vector<16xf32>, vector<16xi32> -> vector<16xf32>
    %add3A_138 = arith.addf %add3A_124, %gather3A_137 : vector<16xf32>
    %div3A = arith.constant 1.000000e+00 : f32
    %div3A_139 = vector.broadcast %div3A : f32 to vector<16xf32>
    %div3A_140 = arith.divf %div3A_139, %add3A_138 : vector<16xf32>
    %broadcast_in_dim3A_141 = arith.constant 0.000000e+00 : f32
    %broadcast_in_dim3A_142 = vector.broadcast %broadcast_in_dim3A_141 : f32 to vector<16xf32>
    %dma_wait3A = arith.constant 0 : i32
    %dma_wait3A_143 = tpu.memref_slice %arg2[%add3A_4, %dma_wait3A] : memref<2048x32768xf32, #tpu.memory_space<hbm>> -> memref<1x32768xf32, #tpu.memory_space<hbm>>
    %dma_wait3A_144 = tpu.memref_squeeze %dma_wait3A_143 : memref<1x32768xf32, #tpu.memory_space<hbm>> -> memref<32768xf32, #tpu.memory_space<hbm>>
    %dma_wait3A_145 = arith.constant 0 : i32
    %dma_wait3A_146 = tpu.memref_slice %arg2[%add3A_4, %dma_wait3A_145] : memref<2048x32768xf32, #tpu.memory_space<hbm>> -> memref<1x32768xf32, #tpu.memory_space<hbm>>
    %dma_wait3A_147 = tpu.memref_squeeze %dma_wait3A_146 : memref<1x32768xf32, #tpu.memory_space<hbm>> -> memref<32768xf32, #tpu.memory_space<hbm>>
    tpu.wait_dma2 semaphore(%arg9 : memref<!tpu.dma_semaphore, #tpu.memory_space<semaphore_mem>>) src(%dma_wait3A_147 : memref<32768xf32, #tpu.memory_space<hbm>>) dst(%arg6 : memref<32768xf32, #tpu.memory_space<vmem>>)
    %add3A_148 = arith.constant 1 : i32
    %add3A_149 = arith.addi %add3A_4, %add3A_148 : i32
    %dma_start3A_150 = arith.constant 0 : i32
    %dma_start3A_151 = tpu.memref_slice %arg2[%add3A_149, %dma_start3A_150] : memref<2048x32768xf32, #tpu.memory_space<hbm>> -> memref<1x32768xf32, #tpu.memory_space<hbm>>
    %dma_start3A_152 = tpu.memref_squeeze %dma_start3A_151 : memref<1x32768xf32, #tpu.memory_space<hbm>> -> memref<32768xf32, #tpu.memory_space<hbm>>
    %dma_start3A_153 = arith.constant 0 : i32
    %dma_start3A_154 = tpu.memref_slice %arg2[%add3A_149, %dma_start3A_153] : memref<2048x32768xf32, #tpu.memory_space<hbm>> -> memref<1x32768xf32, #tpu.memory_space<hbm>>
    %dma_start3A_155 = tpu.memref_squeeze %dma_start3A_154 : memref<1x32768xf32, #tpu.memory_space<hbm>> -> memref<32768xf32, #tpu.memory_space<hbm>>
    tpu.enqueue_dma source(%dma_start3A_155 : memref<32768xf32, #tpu.memory_space<hbm>>) target(%arg7 : memref<32768xf32, #tpu.memory_space<vmem>>) target_semaphore(%arg10 : memref<!tpu.dma_semaphore, #tpu.memory_space<semaphore_mem>>)
    %scan3A_156 = arith.constant 0 : i32
    %scan3A_157 = arith.constant 256 : i32
    %scan3A_158 = arith.addi %scan3A_156, %scan3A_157 : i32
    %scan3A_159 = arith.constant 1 : i32
    %scan3A_160:4 = scf.for %scan3A_808 = %scan3A_156 to %scan3A_158 step %scan3A_159 iter_args(%scan3A_809 = %broadcast_in_dim3A_73, %scan3A_810 = %broadcast_in_dim3A_73, %scan3A_811 = %broadcast_in_dim3A_73, %scan3A_812 = %broadcast_in_dim3A_73) -> (vector<16xf32>, vector<16xf32>, vector<16xf32>, vector<16xf32>)  : i32 {
      %mul3A_813 = arith.constant 128 : i32
      %mul3A_814 = arith.muli %scan3A_808, %mul3A_813 : i32
      %add3A_815 = arith.constant 0 : i32
      %add3A_816 = arith.addi %mul3A_814, %add3A_815 : i32
      %get3A = arith.index_cast %add3A_816 : i32 to index
      %get3A_817 = tpu.vector_load %arg6[%get3A] {strides = array<i32>} : memref<32768xf32, #tpu.memory_space<vmem>>, vector<16xf32>,
      %get3A_818 = vector.shape_cast %get3A_817 : vector<16xf32> to vector<16xf32>
      %get3A_819 = arith.index_cast %add3A_816 : i32 to index
      %get3A_820 = tpu.vector_load %arg5[%get3A_819] {strides = array<i32>} : memref<32768xf32, #tpu.memory_space<vmem>>, vector<16xf32>,
      %get3A_821 = vector.shape_cast %get3A_820 : vector<16xf32> to vector<16xf32>
      %mul3A_822 = arith.mulf %get3A_818, %get3A_821 : vector<16xf32>
      %add3A_823 = arith.addf %scan3A_809, %mul3A_822 : vector<16xf32>
      %add3A_824 = arith.constant 16 : i32
      %add3A_825 = arith.addi %mul3A_814, %add3A_824 : i32
      %get3A_826 = arith.index_cast %add3A_825 : i32 to index
      %get3A_827 = tpu.vector_load %arg6[%get3A_826] {strides = array<i32>} : memref<32768xf32, #tpu.memory_space<vmem>>, vector<16xf32>,
      %get3A_828 = vector.shape_cast %get3A_827 : vector<16xf32> to vector<16xf32>
      %get3A_829 = arith.index_cast %add3A_825 : i32 to index
      %get3A_830 = tpu.vector_load %arg5[%get3A_829] {strides = array<i32>} : memref<32768xf32, #tpu.memory_space<vmem>>, vector<16xf32>,
      %get3A_831 = vector.shape_cast %get3A_830 : vector<16xf32> to vector<16xf32>
      %mul3A_832 = arith.mulf %get3A_828, %get3A_831 : vector<16xf32>
      %add3A_833 = arith.addf %scan3A_810, %mul3A_832 : vector<16xf32>
      %add3A_834 = arith.constant 32 : i32
      %add3A_835 = arith.addi %mul3A_814, %add3A_834 : i32
      %get3A_836 = arith.index_cast %add3A_835 : i32 to index
      %get3A_837 = tpu.vector_load %arg6[%get3A_836] {strides = array<i32>} : memref<32768xf32, #tpu.memory_space<vmem>>, vector<16xf32>,
      %get3A_838 = vector.shape_cast %get3A_837 : vector<16xf32> to vector<16xf32>
      %get3A_839 = arith.index_cast %add3A_835 : i32 to index
      %get3A_840 = tpu.vector_load %arg5[%get3A_839] {strides = array<i32>} : memref<32768xf32, #tpu.memory_space<vmem>>, vector<16xf32>,
      %get3A_841 = vector.shape_cast %get3A_840 : vector<16xf32> to vector<16xf32>
      %mul3A_842 = arith.mulf %get3A_838, %get3A_841 : vector<16xf32>
      %add3A_843 = arith.addf %scan3A_811, %mul3A_842 : vector<16xf32>
      %add3A_844 = arith.constant 48 : i32
      %add3A_845 = arith.addi %mul3A_814, %add3A_844 : i32
      %get3A_846 = arith.index_cast %add3A_845 : i32 to index
      %get3A_847 = tpu.vector_load %arg6[%get3A_846] {strides = array<i32>} : memref<32768xf32, #tpu.memory_space<vmem>>, vector<16xf32>,
      %get3A_848 = vector.shape_cast %get3A_847 : vector<16xf32> to vector<16xf32>
      %get3A_849 = arith.index_cast %add3A_845 : i32 to index
      %get3A_850 = tpu.vector_load %arg5[%get3A_849] {strides = array<i32>} : memref<32768xf32, #tpu.memory_space<vmem>>, vector<16xf32>,
      %get3A_851 = vector.shape_cast %get3A_850 : vector<16xf32> to vector<16xf32>
      %mul3A_852 = arith.mulf %get3A_848, %get3A_851 : vector<16xf32>
      %add3A_853 = arith.addf %scan3A_812, %mul3A_852 : vector<16xf32>
      %add3A_854 = arith.constant 64 : i32
      %add3A_855 = arith.addi %mul3A_814, %add3A_854 : i32
      %get3A_856 = arith.index_cast %add3A_855 : i32 to index
      %get3A_857 = tpu.vector_load %arg6[%get3A_856] {strides = array<i32>} : memref<32768xf32, #tpu.memory_space<vmem>>, vector<16xf32>,
      %get3A_858 = vector.shape_cast %get3A_857 : vector<16xf32> to vector<16xf32>
      %get3A_859 = arith.index_cast %add3A_855 : i32 to index
      %get3A_860 = tpu.vector_load %arg5[%get3A_859] {strides = array<i32>} : memref<32768xf32, #tpu.memory_space<vmem>>, vector<16xf32>,
      %get3A_861 = vector.shape_cast %get3A_860 : vector<16xf32> to vector<16xf32>
      %mul3A_862 = arith.mulf %get3A_858, %get3A_861 : vector<16xf32>
      %add3A_863 = arith.addf %add3A_823, %mul3A_862 : vector<16xf32>
      %add3A_864 = arith.constant 80 : i32
      %add3A_865 = arith.addi %mul3A_814, %add3A_864 : i32
      %get3A_866 = arith.index_cast %add3A_865 : i32 to index
      %get3A_867 = tpu.vector_load %arg6[%get3A_866] {strides = array<i32>} : memref<32768xf32, #tpu.memory_space<vmem>>, vector<16xf32>,
      %get3A_868 = vector.shape_cast %get3A_867 : vector<16xf32> to vector<16xf32>
      %get3A_869 = arith.index_cast %add3A_865 : i32 to index
      %get3A_870 = tpu.vector_load %arg5[%get3A_869] {strides = array<i32>} : memref<32768xf32, #tpu.memory_space<vmem>>, vector<16xf32>,
      %get3A_871 = vector.shape_cast %get3A_870 : vector<16xf32> to vector<16xf32>
      %mul3A_872 = arith.mulf %get3A_868, %get3A_871 : vector<16xf32>
      %add3A_873 = arith.addf %add3A_833, %mul3A_872 : vector<16xf32>
      %add3A_874 = arith.constant 96 : i32
      %add3A_875 = arith.addi %mul3A_814, %add3A_874 : i32
      %get3A_876 = arith.index_cast %add3A_875 : i32 to index
      %get3A_877 = tpu.vector_load %arg6[%get3A_876] {strides = array<i32>} : memref<32768xf32, #tpu.memory_space<vmem>>, vector<16xf32>,
      %get3A_878 = vector.shape_cast %get3A_877 : vector<16xf32> to vector<16xf32>
      %get3A_879 = arith.index_cast %add3A_875 : i32 to index
      %get3A_880 = tpu.vector_load %arg5[%get3A_879] {strides = array<i32>} : memref<32768xf32, #tpu.memory_space<vmem>>, vector<16xf32>,
      %get3A_881 = vector.shape_cast %get3A_880 : vector<16xf32> to vector<16xf32>
      %mul3A_882 = arith.mulf %get3A_878, %get3A_881 : vector<16xf32>
      %add3A_883 = arith.addf %add3A_843, %mul3A_882 : vector<16xf32>
      %add3A_884 = arith.constant 112 : i32
      %add3A_885 = arith.addi %mul3A_814, %add3A_884 : i32
      %get3A_886 = arith.index_cast %add3A_885 : i32 to index
      %get3A_887 = tpu.vector_load %arg6[%get3A_886] {strides = array<i32>} : memref<32768xf32, #tpu.memory_space<vmem>>, vector<16xf32>,
      %get3A_888 = vector.shape_cast %get3A_887 : vector<16xf32> to vector<16xf32>
      %get3A_889 = arith.index_cast %add3A_885 : i32 to index
      %get3A_890 = tpu.vector_load %arg5[%get3A_889] {strides = array<i32>} : memref<32768xf32, #tpu.memory_space<vmem>>, vector<16xf32>,
      %get3A_891 = vector.shape_cast %get3A_890 : vector<16xf32> to vector<16xf32>
      %mul3A_892 = arith.mulf %get3A_888, %get3A_891 : vector<16xf32>
      %add3A_893 = arith.addf %add3A_853, %mul3A_892 : vector<16xf32>
      scf.yield %add3A_863, %add3A_873, %add3A_883, %add3A_893 : vector<16xf32>, vector<16xf32>, vector<16xf32>, vector<16xf32>
    }
    %scan3A_161 = arith.constant 256 : i32
    %add3A_162 = arith.addf %scan3A_160#0, %scan3A_160#1 : vector<16xf32>
    %add3A_163 = arith.addf %scan3A_160#2, %scan3A_160#3 : vector<16xf32>
    %add3A_164 = arith.addf %add3A_162, %add3A_163 : vector<16xf32>
    %eq3A = arith.constant 0 : i32
    %eq3A_165 = vector.broadcast %eq3A : i32 to vector<16xi32>
    %eq3A_166 = arith.cmpi eq, %iota3A, %eq3A_165 : vector<16xi32>
    %xor3A_167 = arith.constant 1 : i32
    %xor3A_168 = vector.broadcast %xor3A_167 : i32 to vector<16xi32>
    %xor3A_169 = arith.xori %iota3A, %xor3A_168 : vector<16xi32>
    %lt3A_170 = arith.constant 0 : i32
    %lt3A_171 = vector.broadcast %lt3A_170 : i32 to vector<16xi32>
    %lt3A_172 = arith.cmpi slt, %xor3A_169, %lt3A_171 : vector<16xi32>
    %add3A_173 = arith.constant 16 : i32
    %add3A_174 = vector.broadcast %add3A_173 : i32 to vector<16xi32>
    %add3A_175 = arith.addi %xor3A_169, %add3A_174 : vector<16xi32>
    %select_n3A_176 = arith.select %lt3A_172, %add3A_175, %xor3A_169 : vector<16xi1>, vector<16xi32>
    %broadcast_in_dim3A_177 = vector.shape_cast %select_n3A_176 : vector<16xi32> to vector<16x1xi32>
    %gather3A_178 = vector.shape_cast %broadcast_in_dim3A_177 : vector<16x1xi32> to vector<16xi32>
    %gather3A_179 = tpu.dynamic_gather %add3A_164[%gather3A_178] in [0] : vector<16xf32>, vector<16xi32> -> vector<16xf32>
    %add3A_180 = arith.addf %add3A_164, %gather3A_179 : vector<16xf32>
    %xor3A_181 = arith.constant 2 : i32
    %xor3A_182 = vector.broadcast %xor3A_181 : i32 to vector<16xi32>
    %xor3A_183 = arith.xori %iota3A, %xor3A_182 : vector<16xi32>
    %lt3A_184 = arith.constant 0 : i32
    %lt3A_185 = vector.broadcast %lt3A_184 : i32 to vector<16xi32>
    %lt3A_186 = arith.cmpi slt, %xor3A_183, %lt3A_185 : vector<16xi32>
    %add3A_187 = arith.constant 16 : i32
    %add3A_188 = vector.broadcast %add3A_187 : i32 to vector<16xi32>
    %add3A_189 = arith.addi %xor3A_183, %add3A_188 : vector<16xi32>
    %select_n3A_190 = arith.select %lt3A_186, %add3A_189, %xor3A_183 : vector<16xi1>, vector<16xi32>
    %broadcast_in_dim3A_191 = vector.shape_cast %select_n3A_190 : vector<16xi32> to vector<16x1xi32>
    %gather3A_192 = vector.shape_cast %broadcast_in_dim3A_191 : vector<16x1xi32> to vector<16xi32>
    %gather3A_193 = tpu.dynamic_gather %add3A_180[%gather3A_192] in [0] : vector<16xf32>, vector<16xi32> -> vector<16xf32>
    %add3A_194 = arith.addf %add3A_180, %gather3A_193 : vector<16xf32>
    %xor3A_195 = arith.constant 4 : i32
    %xor3A_196 = vector.broadcast %xor3A_195 : i32 to vector<16xi32>
    %xor3A_197 = arith.xori %iota3A, %xor3A_196 : vector<16xi32>
    %lt3A_198 = arith.constant 0 : i32
    %lt3A_199 = vector.broadcast %lt3A_198 : i32 to vector<16xi32>
    %lt3A_200 = arith.cmpi slt, %xor3A_197, %lt3A_199 : vector<16xi32>
    %add3A_201 = arith.constant 16 : i32
    %add3A_202 = vector.broadcast %add3A_201 : i32 to vector<16xi32>
    %add3A_203 = arith.addi %xor3A_197, %add3A_202 : vector<16xi32>
    %select_n3A_204 = arith.select %lt3A_200, %add3A_203, %xor3A_197 : vector<16xi1>, vector<16xi32>
    %broadcast_in_dim3A_205 = vector.shape_cast %select_n3A_204 : vector<16xi32> to vector<16x1xi32>
    %gather3A_206 = vector.shape_cast %broadcast_in_dim3A_205 : vector<16x1xi32> to vector<16xi32>
    %gather3A_207 = tpu.dynamic_gather %add3A_194[%gather3A_206] in [0] : vector<16xf32>, vector<16xi32> -> vector<16xf32>
    %add3A_208 = arith.addf %add3A_194, %gather3A_207 : vector<16xf32>
    %xor3A_209 = arith.constant 8 : i32
    %xor3A_210 = vector.broadcast %xor3A_209 : i32 to vector<16xi32>
    %xor3A_211 = arith.xori %iota3A, %xor3A_210 : vector<16xi32>
    %lt3A_212 = arith.constant 0 : i32
    %lt3A_213 = vector.broadcast %lt3A_212 : i32 to vector<16xi32>
    %lt3A_214 = arith.cmpi slt, %xor3A_211, %lt3A_213 : vector<16xi32>
    %add3A_215 = arith.constant 16 : i32
    %add3A_216 = vector.broadcast %add3A_215 : i32 to vector<16xi32>
    %add3A_217 = arith.addi %xor3A_211, %add3A_216 : vector<16xi32>
    %select_n3A_218 = arith.select %lt3A_214, %add3A_217, %xor3A_211 : vector<16xi1>, vector<16xi32>
    %broadcast_in_dim3A_219 = vector.shape_cast %select_n3A_218 : vector<16xi32> to vector<16x1xi32>
    %gather3A_220 = vector.shape_cast %broadcast_in_dim3A_219 : vector<16x1xi32> to vector<16xi32>
    %gather3A_221 = tpu.dynamic_gather %add3A_208[%gather3A_220] in [0] : vector<16xf32>, vector<16xi32> -> vector<16xf32>
    %add3A_222 = arith.addf %add3A_208, %gather3A_221 : vector<16xf32>
    %mul3A_223 = arith.mulf %add3A_222, %div3A_140 : vector<16xf32>
    %select_n3A_224 = arith.select %eq3A_166, %mul3A_223, %broadcast_in_dim3A_142 : vector<16xi1>, vector<16xf32>
    %dma_wait3A_225 = arith.constant 0 : i32
    %dma_wait3A_226 = tpu.memref_slice %arg2[%add3A_4, %dma_wait3A_225] : memref<2048x32768xf32, #tpu.memory_space<hbm>> -> memref<1x32768xf32, #tpu.memory_space<hbm>>
    %dma_wait3A_227 = tpu.memref_squeeze %dma_wait3A_226 : memref<1x32768xf32, #tpu.memory_space<hbm>> -> memref<32768xf32, #tpu.memory_space<hbm>>
    %dma_wait3A_228 = arith.constant 0 : i32
    %dma_wait3A_229 = tpu.memref_slice %arg2[%add3A_4, %dma_wait3A_228] : memref<2048x32768xf32, #tpu.memory_space<hbm>> -> memref<1x32768xf32, #tpu.memory_space<hbm>>
    %dma_wait3A_230 = tpu.memref_squeeze %dma_wait3A_229 : memref<1x32768xf32, #tpu.memory_space<hbm>> -> memref<32768xf32, #tpu.memory_space<hbm>>
    tpu.wait_dma2 semaphore(%arg10 : memref<!tpu.dma_semaphore, #tpu.memory_space<semaphore_mem>>) src(%dma_wait3A_230 : memref<32768xf32, #tpu.memory_space<hbm>>) dst(%arg7 : memref<32768xf32, #tpu.memory_space<vmem>>)
    %add3A_231 = arith.constant 2 : i32
    %add3A_232 = arith.addi %add3A_4, %add3A_231 : i32
    %dma_start3A_233 = arith.constant 0 : i32
    %dma_start3A_234 = tpu.memref_slice %arg2[%add3A_232, %dma_start3A_233] : memref<2048x32768xf32, #tpu.memory_space<hbm>> -> memref<1x32768xf32, #tpu.memory_space<hbm>>
    %dma_start3A_235 = tpu.memref_squeeze %dma_start3A_234 : memref<1x32768xf32, #tpu.memory_space<hbm>> -> memref<32768xf32, #tpu.memory_space<hbm>>
    %dma_start3A_236 = arith.constant 0 : i32
    %dma_start3A_237 = tpu.memref_slice %arg2[%add3A_232, %dma_start3A_236] : memref<2048x32768xf32, #tpu.memory_space<hbm>> -> memref<1x32768xf32, #tpu.memory_space<hbm>>
    %dma_start3A_238 = tpu.memref_squeeze %dma_start3A_237 : memref<1x32768xf32, #tpu.memory_space<hbm>> -> memref<32768xf32, #tpu.memory_space<hbm>>
    tpu.enqueue_dma source(%dma_start3A_238 : memref<32768xf32, #tpu.memory_space<hbm>>) target(%arg6 : memref<32768xf32, #tpu.memory_space<vmem>>) target_semaphore(%arg9 : memref<!tpu.dma_semaphore, #tpu.memory_space<semaphore_mem>>)
    %scan3A_239 = arith.constant 0 : i32
    %scan3A_240 = arith.constant 256 : i32
    %scan3A_241 = arith.addi %scan3A_239, %scan3A_240 : i32
    %scan3A_242 = arith.constant 1 : i32
    %scan3A_243:4 = scf.for %scan3A_808 = %scan3A_239 to %scan3A_241 step %scan3A_242 iter_args(%scan3A_809 = %broadcast_in_dim3A_73, %scan3A_810 = %broadcast_in_dim3A_73, %scan3A_811 = %broadcast_in_dim3A_73, %scan3A_812 = %broadcast_in_dim3A_73) -> (vector<16xf32>, vector<16xf32>, vector<16xf32>, vector<16xf32>)  : i32 {
      %mul3A_813 = arith.constant 128 : i32
      %mul3A_814 = arith.muli %scan3A_808, %mul3A_813 : i32
      %add3A_815 = arith.constant 0 : i32
      %add3A_816 = arith.addi %mul3A_814, %add3A_815 : i32
      %get3A = arith.index_cast %add3A_816 : i32 to index
      %get3A_817 = tpu.vector_load %arg7[%get3A] {strides = array<i32>} : memref<32768xf32, #tpu.memory_space<vmem>>, vector<16xf32>,
      %get3A_818 = vector.shape_cast %get3A_817 : vector<16xf32> to vector<16xf32>
      %get3A_819 = arith.index_cast %add3A_816 : i32 to index
      %get3A_820 = tpu.vector_load %arg5[%get3A_819] {strides = array<i32>} : memref<32768xf32, #tpu.memory_space<vmem>>, vector<16xf32>,
      %get3A_821 = vector.shape_cast %get3A_820 : vector<16xf32> to vector<16xf32>
      %mul3A_822 = arith.mulf %get3A_818, %get3A_821 : vector<16xf32>
      %add3A_823 = arith.addf %scan3A_809, %mul3A_822 : vector<16xf32>
      %add3A_824 = arith.constant 16 : i32
      %add3A_825 = arith.addi %mul3A_814, %add3A_824 : i32
      %get3A_826 = arith.index_cast %add3A_825 : i32 to index
      %get3A_827 = tpu.vector_load %arg7[%get3A_826] {strides = array<i32>} : memref<32768xf32, #tpu.memory_space<vmem>>, vector<16xf32>,
      %get3A_828 = vector.shape_cast %get3A_827 : vector<16xf32> to vector<16xf32>
      %get3A_829 = arith.index_cast %add3A_825 : i32 to index
      %get3A_830 = tpu.vector_load %arg5[%get3A_829] {strides = array<i32>} : memref<32768xf32, #tpu.memory_space<vmem>>, vector<16xf32>,
      %get3A_831 = vector.shape_cast %get3A_830 : vector<16xf32> to vector<16xf32>
      %mul3A_832 = arith.mulf %get3A_828, %get3A_831 : vector<16xf32>
      %add3A_833 = arith.addf %scan3A_810, %mul3A_832 : vector<16xf32>
      %add3A_834 = arith.constant 32 : i32
      %add3A_835 = arith.addi %mul3A_814, %add3A_834 : i32
      %get3A_836 = arith.index_cast %add3A_835 : i32 to index
      %get3A_837 = tpu.vector_load %arg7[%get3A_836] {strides = array<i32>} : memref<32768xf32, #tpu.memory_space<vmem>>, vector<16xf32>,
      %get3A_838 = vector.shape_cast %get3A_837 : vector<16xf32> to vector<16xf32>
      %get3A_839 = arith.index_cast %add3A_835 : i32 to index
      %get3A_840 = tpu.vector_load %arg5[%get3A_839] {strides = array<i32>} : memref<32768xf32, #tpu.memory_space<vmem>>, vector<16xf32>,
      %get3A_841 = vector.shape_cast %get3A_840 : vector<16xf32> to vector<16xf32>
      %mul3A_842 = arith.mulf %get3A_838, %get3A_841 : vector<16xf32>
      %add3A_843 = arith.addf %scan3A_811, %mul3A_842 : vector<16xf32>
      %add3A_844 = arith.constant 48 : i32
      %add3A_845 = arith.addi %mul3A_814, %add3A_844 : i32
      %get3A_846 = arith.index_cast %add3A_845 : i32 to index
      %get3A_847 = tpu.vector_load %arg7[%get3A_846] {strides = array<i32>} : memref<32768xf32, #tpu.memory_space<vmem>>, vector<16xf32>,
      %get3A_848 = vector.shape_cast %get3A_847 : vector<16xf32> to vector<16xf32>
      %get3A_849 = arith.index_cast %add3A_845 : i32 to index
      %get3A_850 = tpu.vector_load %arg5[%get3A_849] {strides = array<i32>} : memref<32768xf32, #tpu.memory_space<vmem>>, vector<16xf32>,
      %get3A_851 = vector.shape_cast %get3A_850 : vector<16xf32> to vector<16xf32>
      %mul3A_852 = arith.mulf %get3A_848, %get3A_851 : vector<16xf32>
      %add3A_853 = arith.addf %scan3A_812, %mul3A_852 : vector<16xf32>
      %add3A_854 = arith.constant 64 : i32
      %add3A_855 = arith.addi %mul3A_814, %add3A_854 : i32
      %get3A_856 = arith.index_cast %add3A_855 : i32 to index
      %get3A_857 = tpu.vector_load %arg7[%get3A_856] {strides = array<i32>} : memref<32768xf32, #tpu.memory_space<vmem>>, vector<16xf32>,
      %get3A_858 = vector.shape_cast %get3A_857 : vector<16xf32> to vector<16xf32>
      %get3A_859 = arith.index_cast %add3A_855 : i32 to index
      %get3A_860 = tpu.vector_load %arg5[%get3A_859] {strides = array<i32>} : memref<32768xf32, #tpu.memory_space<vmem>>, vector<16xf32>,
      %get3A_861 = vector.shape_cast %get3A_860 : vector<16xf32> to vector<16xf32>
      %mul3A_862 = arith.mulf %get3A_858, %get3A_861 : vector<16xf32>
      %add3A_863 = arith.addf %add3A_823, %mul3A_862 : vector<16xf32>
      %add3A_864 = arith.constant 80 : i32
      %add3A_865 = arith.addi %mul3A_814, %add3A_864 : i32
      %get3A_866 = arith.index_cast %add3A_865 : i32 to index
      %get3A_867 = tpu.vector_load %arg7[%get3A_866] {strides = array<i32>} : memref<32768xf32, #tpu.memory_space<vmem>>, vector<16xf32>,
      %get3A_868 = vector.shape_cast %get3A_867 : vector<16xf32> to vector<16xf32>
      %get3A_869 = arith.index_cast %add3A_865 : i32 to index
      %get3A_870 = tpu.vector_load %arg5[%get3A_869] {strides = array<i32>} : memref<32768xf32, #tpu.memory_space<vmem>>, vector<16xf32>,
      %get3A_871 = vector.shape_cast %get3A_870 : vector<16xf32> to vector<16xf32>
      %mul3A_872 = arith.mulf %get3A_868, %get3A_871 : vector<16xf32>
      %add3A_873 = arith.addf %add3A_833, %mul3A_872 : vector<16xf32>
      %add3A_874 = arith.constant 96 : i32
      %add3A_875 = arith.addi %mul3A_814, %add3A_874 : i32
      %get3A_876 = arith.index_cast %add3A_875 : i32 to index
      %get3A_877 = tpu.vector_load %arg7[%get3A_876] {strides = array<i32>} : memref<32768xf32, #tpu.memory_space<vmem>>, vector<16xf32>,
      %get3A_878 = vector.shape_cast %get3A_877 : vector<16xf32> to vector<16xf32>
      %get3A_879 = arith.index_cast %add3A_875 : i32 to index
      %get3A_880 = tpu.vector_load %arg5[%get3A_879] {strides = array<i32>} : memref<32768xf32, #tpu.memory_space<vmem>>, vector<16xf32>,
      %get3A_881 = vector.shape_cast %get3A_880 : vector<16xf32> to vector<16xf32>
      %mul3A_882 = arith.mulf %get3A_878, %get3A_881 : vector<16xf32>
      %add3A_883 = arith.addf %add3A_843, %mul3A_882 : vector<16xf32>
      %add3A_884 = arith.constant 112 : i32
      %add3A_885 = arith.addi %mul3A_814, %add3A_884 : i32
      %get3A_886 = arith.index_cast %add3A_885 : i32 to index
      %get3A_887 = tpu.vector_load %arg7[%get3A_886] {strides = array<i32>} : memref<32768xf32, #tpu.memory_space<vmem>>, vector<16xf32>,
      %get3A_888 = vector.shape_cast %get3A_887 : vector<16xf32> to vector<16xf32>
      %get3A_889 = arith.index_cast %add3A_885 : i32 to index
      %get3A_890 = tpu.vector_load %arg5[%get3A_889] {strides = array<i32>} : memref<32768xf32, #tpu.memory_space<vmem>>, vector<16xf32>,
      %get3A_891 = vector.shape_cast %get3A_890 : vector<16xf32> to vector<16xf32>
      %mul3A_892 = arith.mulf %get3A_888, %get3A_891 : vector<16xf32>
      %add3A_893 = arith.addf %add3A_853, %mul3A_892 : vector<16xf32>
      scf.yield %add3A_863, %add3A_873, %add3A_883, %add3A_893 : vector<16xf32>, vector<16xf32>, vector<16xf32>, vector<16xf32>
    }
    %scan3A_244 = arith.constant 256 : i32
    %add3A_245 = arith.addf %scan3A_243#0, %scan3A_243#1 : vector<16xf32>
    %add3A_246 = arith.addf %scan3A_243#2, %scan3A_243#3 : vector<16xf32>
    %add3A_247 = arith.addf %add3A_245, %add3A_246 : vector<16xf32>
    %eq3A_248 = arith.constant 1 : i32
    %eq3A_249 = vector.broadcast %eq3A_248 : i32 to vector<16xi32>
    %eq3A_250 = arith.cmpi eq, %iota3A, %eq3A_249 : vector<16xi32>
    %xor3A_251 = arith.constant 1 : i32
    %xor3A_252 = vector.broadcast %xor3A_251 : i32 to vector<16xi32>
    %xor3A_253 = arith.xori %iota3A, %xor3A_252 : vector<16xi32>
    %lt3A_254 = arith.constant 0 : i32
    %lt3A_255 = vector.broadcast %lt3A_254 : i32 to vector<16xi32>
    %lt3A_256 = arith.cmpi slt, %xor3A_253, %lt3A_255 : vector<16xi32>
    %add3A_257 = arith.constant 16 : i32
    %add3A_258 = vector.broadcast %add3A_257 : i32 to vector<16xi32>
    %add3A_259 = arith.addi %xor3A_253, %add3A_258 : vector<16xi32>
    %select_n3A_260 = arith.select %lt3A_256, %add3A_259, %xor3A_253 : vector<16xi1>, vector<16xi32>
    %broadcast_in_dim3A_261 = vector.shape_cast %select_n3A_260 : vector<16xi32> to vector<16x1xi32>
    %gather3A_262 = vector.shape_cast %broadcast_in_dim3A_261 : vector<16x1xi32> to vector<16xi32>
    %gather3A_263 = tpu.dynamic_gather %add3A_247[%gather3A_262] in [0] : vector<16xf32>, vector<16xi32> -> vector<16xf32>
    %add3A_264 = arith.addf %add3A_247, %gather3A_263 : vector<16xf32>
    %xor3A_265 = arith.constant 2 : i32
    %xor3A_266 = vector.broadcast %xor3A_265 : i32 to vector<16xi32>
    %xor3A_267 = arith.xori %iota3A, %xor3A_266 : vector<16xi32>
    %lt3A_268 = arith.constant 0 : i32
    %lt3A_269 = vector.broadcast %lt3A_268 : i32 to vector<16xi32>
    %lt3A_270 = arith.cmpi slt, %xor3A_267, %lt3A_269 : vector<16xi32>
    %add3A_271 = arith.constant 16 : i32
    %add3A_272 = vector.broadcast %add3A_271 : i32 to vector<16xi32>
    %add3A_273 = arith.addi %xor3A_267, %add3A_272 : vector<16xi32>
    %select_n3A_274 = arith.select %lt3A_270, %add3A_273, %xor3A_267 : vector<16xi1>, vector<16xi32>
    %broadcast_in_dim3A_275 = vector.shape_cast %select_n3A_274 : vector<16xi32> to vector<16x1xi32>
    %gather3A_276 = vector.shape_cast %broadcast_in_dim3A_275 : vector<16x1xi32> to vector<16xi32>
    %gather3A_277 = tpu.dynamic_gather %add3A_264[%gather3A_276] in [0] : vector<16xf32>, vector<16xi32> -> vector<16xf32>
    %add3A_278 = arith.addf %add3A_264, %gather3A_277 : vector<16xf32>
    %xor3A_279 = arith.constant 4 : i32
    %xor3A_280 = vector.broadcast %xor3A_279 : i32 to vector<16xi32>
    %xor3A_281 = arith.xori %iota3A, %xor3A_280 : vector<16xi32>
    %lt3A_282 = arith.constant 0 : i32
    %lt3A_283 = vector.broadcast %lt3A_282 : i32 to vector<16xi32>
    %lt3A_284 = arith.cmpi slt, %xor3A_281, %lt3A_283 : vector<16xi32>
    %add3A_285 = arith.constant 16 : i32
    %add3A_286 = vector.broadcast %add3A_285 : i32 to vector<16xi32>
    %add3A_287 = arith.addi %xor3A_281, %add3A_286 : vector<16xi32>
    %select_n3A_288 = arith.select %lt3A_284, %add3A_287, %xor3A_281 : vector<16xi1>, vector<16xi32>
    %broadcast_in_dim3A_289 = vector.shape_cast %select_n3A_288 : vector<16xi32> to vector<16x1xi32>
    %gather3A_290 = vector.shape_cast %broadcast_in_dim3A_289 : vector<16x1xi32> to vector<16xi32>
    %gather3A_291 = tpu.dynamic_gather %add3A_278[%gather3A_290] in [0] : vector<16xf32>, vector<16xi32> -> vector<16xf32>
    %add3A_292 = arith.addf %add3A_278, %gather3A_291 : vector<16xf32>
    %xor3A_293 = arith.constant 8 : i32
    %xor3A_294 = vector.broadcast %xor3A_293 : i32 to vector<16xi32>
    %xor3A_295 = arith.xori %iota3A, %xor3A_294 : vector<16xi32>
    %lt3A_296 = arith.constant 0 : i32
    %lt3A_297 = vector.broadcast %lt3A_296 : i32 to vector<16xi32>
    %lt3A_298 = arith.cmpi slt, %xor3A_295, %lt3A_297 : vector<16xi32>
    %add3A_299 = arith.constant 16 : i32
    %add3A_300 = vector.broadcast %add3A_299 : i32 to vector<16xi32>
    %add3A_301 = arith.addi %xor3A_295, %add3A_300 : vector<16xi32>
    %select_n3A_302 = arith.select %lt3A_298, %add3A_301, %xor3A_295 : vector<16xi1>, vector<16xi32>
    %broadcast_in_dim3A_303 = vector.shape_cast %select_n3A_302 : vector<16xi32> to vector<16x1xi32>
    %gather3A_304 = vector.shape_cast %broadcast_in_dim3A_303 : vector<16x1xi32> to vector<16xi32>
    %gather3A_305 = tpu.dynamic_gather %add3A_292[%gather3A_304] in [0] : vector<16xf32>, vector<16xi32> -> vector<16xf32>
    %add3A_306 = arith.addf %add3A_292, %gather3A_305 : vector<16xf32>
    %mul3A_307 = arith.mulf %add3A_306, %div3A_140 : vector<16xf32>
    %select_n3A_308 = arith.select %eq3A_250, %mul3A_307, %select_n3A_224 : vector<16xi1>, vector<16xf32>
    %dma_wait3A_309 = arith.constant 0 : i32
    %dma_wait3A_310 = tpu.memref_slice %arg2[%add3A_4, %dma_wait3A_309] : memref<2048x32768xf32, #tpu.memory_space<hbm>> -> memref<1x32768xf32, #tpu.memory_space<hbm>>
    %dma_wait3A_311 = tpu.memref_squeeze %dma_wait3A_310 : memref<1x32768xf32, #tpu.memory_space<hbm>> -> memref<32768xf32, #tpu.memory_space<hbm>>
    %dma_wait3A_312 = arith.constant 0 : i32
    %dma_wait3A_313 = tpu.memref_slice %arg2[%add3A_4, %dma_wait3A_312] : memref<2048x32768xf32, #tpu.memory_space<hbm>> -> memref<1x32768xf32, #tpu.memory_space<hbm>>
    %dma_wait3A_314 = tpu.memref_squeeze %dma_wait3A_313 : memref<1x32768xf32, #tpu.memory_space<hbm>> -> memref<32768xf32, #tpu.memory_space<hbm>>
    tpu.wait_dma2 semaphore(%arg9 : memref<!tpu.dma_semaphore, #tpu.memory_space<semaphore_mem>>) src(%dma_wait3A_314 : memref<32768xf32, #tpu.memory_space<hbm>>) dst(%arg6 : memref<32768xf32, #tpu.memory_space<vmem>>)
    %add3A_315 = arith.constant 3 : i32
    %add3A_316 = arith.addi %add3A_4, %add3A_315 : i32
    %dma_start3A_317 = arith.constant 0 : i32
    %dma_start3A_318 = tpu.memref_slice %arg2[%add3A_316, %dma_start3A_317] : memref<2048x32768xf32, #tpu.memory_space<hbm>> -> memref<1x32768xf32, #tpu.memory_space<hbm>>
    %dma_start3A_319 = tpu.memref_squeeze %dma_start3A_318 : memref<1x32768xf32, #tpu.memory_space<hbm>> -> memref<32768xf32, #tpu.memory_space<hbm>>
    %dma_start3A_320 = arith.constant 0 : i32
    %dma_start3A_321 = tpu.memref_slice %arg2[%add3A_316, %dma_start3A_320] : memref<2048x32768xf32, #tpu.memory_space<hbm>> -> memref<1x32768xf32, #tpu.memory_space<hbm>>
    %dma_start3A_322 = tpu.memref_squeeze %dma_start3A_321 : memref<1x32768xf32, #tpu.memory_space<hbm>> -> memref<32768xf32, #tpu.memory_space<hbm>>
    tpu.enqueue_dma source(%dma_start3A_322 : memref<32768xf32, #tpu.memory_space<hbm>>) target(%arg7 : memref<32768xf32, #tpu.memory_space<vmem>>) target_semaphore(%arg10 : memref<!tpu.dma_semaphore, #tpu.memory_space<semaphore_mem>>)
    %scan3A_323 = arith.constant 0 : i32
    %scan3A_324 = arith.constant 256 : i32
    %scan3A_325 = arith.addi %scan3A_323, %scan3A_324 : i32
    %scan3A_326 = arith.constant 1 : i32
    %scan3A_327:4 = scf.for %scan3A_808 = %scan3A_323 to %scan3A_325 step %scan3A_326 iter_args(%scan3A_809 = %broadcast_in_dim3A_73, %scan3A_810 = %broadcast_in_dim3A_73, %scan3A_811 = %broadcast_in_dim3A_73, %scan3A_812 = %broadcast_in_dim3A_73) -> (vector<16xf32>, vector<16xf32>, vector<16xf32>, vector<16xf32>)  : i32 {
      %mul3A_813 = arith.constant 128 : i32
      %mul3A_814 = arith.muli %scan3A_808, %mul3A_813 : i32
      %add3A_815 = arith.constant 0 : i32
      %add3A_816 = arith.addi %mul3A_814, %add3A_815 : i32
      %get3A = arith.index_cast %add3A_816 : i32 to index
      %get3A_817 = tpu.vector_load %arg6[%get3A] {strides = array<i32>} : memref<32768xf32, #tpu.memory_space<vmem>>, vector<16xf32>,
      %get3A_818 = vector.shape_cast %get3A_817 : vector<16xf32> to vector<16xf32>
      %get3A_819 = arith.index_cast %add3A_816 : i32 to index
      %get3A_820 = tpu.vector_load %arg5[%get3A_819] {strides = array<i32>} : memref<32768xf32, #tpu.memory_space<vmem>>, vector<16xf32>,
      %get3A_821 = vector.shape_cast %get3A_820 : vector<16xf32> to vector<16xf32>
      %mul3A_822 = arith.mulf %get3A_818, %get3A_821 : vector<16xf32>
      %add3A_823 = arith.addf %scan3A_809, %mul3A_822 : vector<16xf32>
      %add3A_824 = arith.constant 16 : i32
      %add3A_825 = arith.addi %mul3A_814, %add3A_824 : i32
      %get3A_826 = arith.index_cast %add3A_825 : i32 to index
      %get3A_827 = tpu.vector_load %arg6[%get3A_826] {strides = array<i32>} : memref<32768xf32, #tpu.memory_space<vmem>>, vector<16xf32>,
      %get3A_828 = vector.shape_cast %get3A_827 : vector<16xf32> to vector<16xf32>
      %get3A_829 = arith.index_cast %add3A_825 : i32 to index
      %get3A_830 = tpu.vector_load %arg5[%get3A_829] {strides = array<i32>} : memref<32768xf32, #tpu.memory_space<vmem>>, vector<16xf32>,
      %get3A_831 = vector.shape_cast %get3A_830 : vector<16xf32> to vector<16xf32>
      %mul3A_832 = arith.mulf %get3A_828, %get3A_831 : vector<16xf32>
      %add3A_833 = arith.addf %scan3A_810, %mul3A_832 : vector<16xf32>
      %add3A_834 = arith.constant 32 : i32
      %add3A_835 = arith.addi %mul3A_814, %add3A_834 : i32
      %get3A_836 = arith.index_cast %add3A_835 : i32 to index
      %get3A_837 = tpu.vector_load %arg6[%get3A_836] {strides = array<i32>} : memref<32768xf32, #tpu.memory_space<vmem>>, vector<16xf32>,
      %get3A_838 = vector.shape_cast %get3A_837 : vector<16xf32> to vector<16xf32>
      %get3A_839 = arith.index_cast %add3A_835 : i32 to index
      %get3A_840 = tpu.vector_load %arg5[%get3A_839] {strides = array<i32>} : memref<32768xf32, #tpu.memory_space<vmem>>, vector<16xf32>,
      %get3A_841 = vector.shape_cast %get3A_840 : vector<16xf32> to vector<16xf32>
      %mul3A_842 = arith.mulf %get3A_838, %get3A_841 : vector<16xf32>
      %add3A_843 = arith.addf %scan3A_811, %mul3A_842 : vector<16xf32>
      %add3A_844 = arith.constant 48 : i32
      %add3A_845 = arith.addi %mul3A_814, %add3A_844 : i32
      %get3A_846 = arith.index_cast %add3A_845 : i32 to index
      %get3A_847 = tpu.vector_load %arg6[%get3A_846] {strides = array<i32>} : memref<32768xf32, #tpu.memory_space<vmem>>, vector<16xf32>,
      %get3A_848 = vector.shape_cast %get3A_847 : vector<16xf32> to vector<16xf32>
      %get3A_849 = arith.index_cast %add3A_845 : i32 to index
      %get3A_850 = tpu.vector_load %arg5[%get3A_849] {strides = array<i32>} : memref<32768xf32, #tpu.memory_space<vmem>>, vector<16xf32>,
      %get3A_851 = vector.shape_cast %get3A_850 : vector<16xf32> to vector<16xf32>
      %mul3A_852 = arith.mulf %get3A_848, %get3A_851 : vector<16xf32>
      %add3A_853 = arith.addf %scan3A_812, %mul3A_852 : vector<16xf32>
      %add3A_854 = arith.constant 64 : i32
      %add3A_855 = arith.addi %mul3A_814, %add3A_854 : i32
      %get3A_856 = arith.index_cast %add3A_855 : i32 to index
      %get3A_857 = tpu.vector_load %arg6[%get3A_856] {strides = array<i32>} : memref<32768xf32, #tpu.memory_space<vmem>>, vector<16xf32>,
      %get3A_858 = vector.shape_cast %get3A_857 : vector<16xf32> to vector<16xf32>
      %get3A_859 = arith.index_cast %add3A_855 : i32 to index
      %get3A_860 = tpu.vector_load %arg5[%get3A_859] {strides = array<i32>} : memref<32768xf32, #tpu.memory_space<vmem>>, vector<16xf32>,
      %get3A_861 = vector.shape_cast %get3A_860 : vector<16xf32> to vector<16xf32>
      %mul3A_862 = arith.mulf %get3A_858, %get3A_861 : vector<16xf32>
      %add3A_863 = arith.addf %add3A_823, %mul3A_862 : vector<16xf32>
      %add3A_864 = arith.constant 80 : i32
      %add3A_865 = arith.addi %mul3A_814, %add3A_864 : i32
      %get3A_866 = arith.index_cast %add3A_865 : i32 to index
      %get3A_867 = tpu.vector_load %arg6[%get3A_866] {strides = array<i32>} : memref<32768xf32, #tpu.memory_space<vmem>>, vector<16xf32>,
      %get3A_868 = vector.shape_cast %get3A_867 : vector<16xf32> to vector<16xf32>
      %get3A_869 = arith.index_cast %add3A_865 : i32 to index
      %get3A_870 = tpu.vector_load %arg5[%get3A_869] {strides = array<i32>} : memref<32768xf32, #tpu.memory_space<vmem>>, vector<16xf32>,
      %get3A_871 = vector.shape_cast %get3A_870 : vector<16xf32> to vector<16xf32>
      %mul3A_872 = arith.mulf %get3A_868, %get3A_871 : vector<16xf32>
      %add3A_873 = arith.addf %add3A_833, %mul3A_872 : vector<16xf32>
      %add3A_874 = arith.constant 96 : i32
      %add3A_875 = arith.addi %mul3A_814, %add3A_874 : i32
      %get3A_876 = arith.index_cast %add3A_875 : i32 to index
      %get3A_877 = tpu.vector_load %arg6[%get3A_876] {strides = array<i32>} : memref<32768xf32, #tpu.memory_space<vmem>>, vector<16xf32>,
      %get3A_878 = vector.shape_cast %get3A_877 : vector<16xf32> to vector<16xf32>
      %get3A_879 = arith.index_cast %add3A_875 : i32 to index
      %get3A_880 = tpu.vector_load %arg5[%get3A_879] {strides = array<i32>} : memref<32768xf32, #tpu.memory_space<vmem>>, vector<16xf32>,
      %get3A_881 = vector.shape_cast %get3A_880 : vector<16xf32> to vector<16xf32>
      %mul3A_882 = arith.mulf %get3A_878, %get3A_881 : vector<16xf32>
      %add3A_883 = arith.addf %add3A_843, %mul3A_882 : vector<16xf32>
      %add3A_884 = arith.constant 112 : i32
      %add3A_885 = arith.addi %mul3A_814, %add3A_884 : i32
      %get3A_886 = arith.index_cast %add3A_885 : i32 to index
      %get3A_887 = tpu.vector_load %arg6[%get3A_886] {strides = array<i32>} : memref<32768xf32, #tpu.memory_space<vmem>>, vector<16xf32>,
      %get3A_888 = vector.shape_cast %get3A_887 : vector<16xf32> to vector<16xf32>
      %get3A_889 = arith.index_cast %add3A_885 : i32 to index
      %get3A_890 = tpu.vector_load %arg5[%get3A_889] {strides = array<i32>} : memref<32768xf32, #tpu.memory_space<vmem>>, vector<16xf32>,
      %get3A_891 = vector.shape_cast %get3A_890 : vector<16xf32> to vector<16xf32>
      %mul3A_892 = arith.mulf %get3A_888, %get3A_891 : vector<16xf32>
      %add3A_893 = arith.addf %add3A_853, %mul3A_892 : vector<16xf32>
      scf.yield %add3A_863, %add3A_873, %add3A_883, %add3A_893 : vector<16xf32>, vector<16xf32>, vector<16xf32>, vector<16xf32>
    }
    %scan3A_328 = arith.constant 256 : i32
    %add3A_329 = arith.addf %scan3A_327#0, %scan3A_327#1 : vector<16xf32>
    %add3A_330 = arith.addf %scan3A_327#2, %scan3A_327#3 : vector<16xf32>
    %add3A_331 = arith.addf %add3A_329, %add3A_330 : vector<16xf32>
    %eq3A_332 = arith.constant 2 : i32
    %eq3A_333 = vector.broadcast %eq3A_332 : i32 to vector<16xi32>
    %eq3A_334 = arith.cmpi eq, %iota3A, %eq3A_333 : vector<16xi32>
    %xor3A_335 = arith.constant 1 : i32
    %xor3A_336 = vector.broadcast %xor3A_335 : i32 to vector<16xi32>
    %xor3A_337 = arith.xori %iota3A, %xor3A_336 : vector<16xi32>
    %lt3A_338 = arith.constant 0 : i32
    %lt3A_339 = vector.broadcast %lt3A_338 : i32 to vector<16xi32>
    %lt3A_340 = arith.cmpi slt, %xor3A_337, %lt3A_339 : vector<16xi32>
    %add3A_341 = arith.constant 16 : i32
    %add3A_342 = vector.broadcast %add3A_341 : i32 to vector<16xi32>
    %add3A_343 = arith.addi %xor3A_337, %add3A_342 : vector<16xi32>
    %select_n3A_344 = arith.select %lt3A_340, %add3A_343, %xor3A_337 : vector<16xi1>, vector<16xi32>
    %broadcast_in_dim3A_345 = vector.shape_cast %select_n3A_344 : vector<16xi32> to vector<16x1xi32>
    %gather3A_346 = vector.shape_cast %broadcast_in_dim3A_345 : vector<16x1xi32> to vector<16xi32>
    %gather3A_347 = tpu.dynamic_gather %add3A_331[%gather3A_346] in [0] : vector<16xf32>, vector<16xi32> -> vector<16xf32>
    %add3A_348 = arith.addf %add3A_331, %gather3A_347 : vector<16xf32>
    %xor3A_349 = arith.constant 2 : i32
    %xor3A_350 = vector.broadcast %xor3A_349 : i32 to vector<16xi32>
    %xor3A_351 = arith.xori %iota3A, %xor3A_350 : vector<16xi32>
    %lt3A_352 = arith.constant 0 : i32
    %lt3A_353 = vector.broadcast %lt3A_352 : i32 to vector<16xi32>
    %lt3A_354 = arith.cmpi slt, %xor3A_351, %lt3A_353 : vector<16xi32>
    %add3A_355 = arith.constant 16 : i32
    %add3A_356 = vector.broadcast %add3A_355 : i32 to vector<16xi32>
    %add3A_357 = arith.addi %xor3A_351, %add3A_356 : vector<16xi32>
    %select_n3A_358 = arith.select %lt3A_354, %add3A_357, %xor3A_351 : vector<16xi1>, vector<16xi32>
    %broadcast_in_dim3A_359 = vector.shape_cast %select_n3A_358 : vector<16xi32> to vector<16x1xi32>
    %gather3A_360 = vector.shape_cast %broadcast_in_dim3A_359 : vector<16x1xi32> to vector<16xi32>
    %gather3A_361 = tpu.dynamic_gather %add3A_348[%gather3A_360] in [0] : vector<16xf32>, vector<16xi32> -> vector<16xf32>
    %add3A_362 = arith.addf %add3A_348, %gather3A_361 : vector<16xf32>
    %xor3A_363 = arith.constant 4 : i32
    %xor3A_364 = vector.broadcast %xor3A_363 : i32 to vector<16xi32>
    %xor3A_365 = arith.xori %iota3A, %xor3A_364 : vector<16xi32>
    %lt3A_366 = arith.constant 0 : i32
    %lt3A_367 = vector.broadcast %lt3A_366 : i32 to vector<16xi32>
    %lt3A_368 = arith.cmpi slt, %xor3A_365, %lt3A_367 : vector<16xi32>
    %add3A_369 = arith.constant 16 : i32
    %add3A_370 = vector.broadcast %add3A_369 : i32 to vector<16xi32>
    %add3A_371 = arith.addi %xor3A_365, %add3A_370 : vector<16xi32>
    %select_n3A_372 = arith.select %lt3A_368, %add3A_371, %xor3A_365 : vector<16xi1>, vector<16xi32>
    %broadcast_in_dim3A_373 = vector.shape_cast %select_n3A_372 : vector<16xi32> to vector<16x1xi32>
    %gather3A_374 = vector.shape_cast %broadcast_in_dim3A_373 : vector<16x1xi32> to vector<16xi32>
    %gather3A_375 = tpu.dynamic_gather %add3A_362[%gather3A_374] in [0] : vector<16xf32>, vector<16xi32> -> vector<16xf32>
    %add3A_376 = arith.addf %add3A_362, %gather3A_375 : vector<16xf32>
    %xor3A_377 = arith.constant 8 : i32
    %xor3A_378 = vector.broadcast %xor3A_377 : i32 to vector<16xi32>
    %xor3A_379 = arith.xori %iota3A, %xor3A_378 : vector<16xi32>
    %lt3A_380 = arith.constant 0 : i32
    %lt3A_381 = vector.broadcast %lt3A_380 : i32 to vector<16xi32>
    %lt3A_382 = arith.cmpi slt, %xor3A_379, %lt3A_381 : vector<16xi32>
    %add3A_383 = arith.constant 16 : i32
    %add3A_384 = vector.broadcast %add3A_383 : i32 to vector<16xi32>
    %add3A_385 = arith.addi %xor3A_379, %add3A_384 : vector<16xi32>
    %select_n3A_386 = arith.select %lt3A_382, %add3A_385, %xor3A_379 : vector<16xi1>, vector<16xi32>
    %broadcast_in_dim3A_387 = vector.shape_cast %select_n3A_386 : vector<16xi32> to vector<16x1xi32>
    %gather3A_388 = vector.shape_cast %broadcast_in_dim3A_387 : vector<16x1xi32> to vector<16xi32>
    %gather3A_389 = tpu.dynamic_gather %add3A_376[%gather3A_388] in [0] : vector<16xf32>, vector<16xi32> -> vector<16xf32>
    %add3A_390 = arith.addf %add3A_376, %gather3A_389 : vector<16xf32>
    %mul3A_391 = arith.mulf %add3A_390, %div3A_140 : vector<16xf32>
    %select_n3A_392 = arith.select %eq3A_334, %mul3A_391, %select_n3A_308 : vector<16xi1>, vector<16xf32>
    %dma_wait3A_393 = arith.constant 0 : i32
    %dma_wait3A_394 = tpu.memref_slice %arg2[%add3A_4, %dma_wait3A_393] : memref<2048x32768xf32, #tpu.memory_space<hbm>> -> memref<1x32768xf32, #tpu.memory_space<hbm>>
    %dma_wait3A_395 = tpu.memref_squeeze %dma_wait3A_394 : memref<1x32768xf32, #tpu.memory_space<hbm>> -> memref<32768xf32, #tpu.memory_space<hbm>>
    %dma_wait3A_396 = arith.constant 0 : i32
    %dma_wait3A_397 = tpu.memref_slice %arg2[%add3A_4, %dma_wait3A_396] : memref<2048x32768xf32, #tpu.memory_space<hbm>> -> memref<1x32768xf32, #tpu.memory_space<hbm>>
    %dma_wait3A_398 = tpu.memref_squeeze %dma_wait3A_397 : memref<1x32768xf32, #tpu.memory_space<hbm>> -> memref<32768xf32, #tpu.memory_space<hbm>>
    tpu.wait_dma2 semaphore(%arg10 : memref<!tpu.dma_semaphore, #tpu.memory_space<semaphore_mem>>) src(%dma_wait3A_398 : memref<32768xf32, #tpu.memory_space<hbm>>) dst(%arg7 : memref<32768xf32, #tpu.memory_space<vmem>>)
    %add3A_399 = arith.constant 4 : i32
    %add3A_400 = arith.addi %add3A_4, %add3A_399 : i32
    %dma_start3A_401 = arith.constant 0 : i32
    %dma_start3A_402 = tpu.memref_slice %arg2[%add3A_400, %dma_start3A_401] : memref<2048x32768xf32, #tpu.memory_space<hbm>> -> memref<1x32768xf32, #tpu.memory_space<hbm>>
    %dma_start3A_403 = tpu.memref_squeeze %dma_start3A_402 : memref<1x32768xf32, #tpu.memory_space<hbm>> -> memref<32768xf32, #tpu.memory_space<hbm>>
    %dma_start3A_404 = arith.constant 0 : i32
    %dma_start3A_405 = tpu.memref_slice %arg2[%add3A_400, %dma_start3A_404] : memref<2048x32768xf32, #tpu.memory_space<hbm>> -> memref<1x32768xf32, #tpu.memory_space<hbm>>
    %dma_start3A_406 = tpu.memref_squeeze %dma_start3A_405 : memref<1x32768xf32, #tpu.memory_space<hbm>> -> memref<32768xf32, #tpu.memory_space<hbm>>
    tpu.enqueue_dma source(%dma_start3A_406 : memref<32768xf32, #tpu.memory_space<hbm>>) target(%arg6 : memref<32768xf32, #tpu.memory_space<vmem>>) target_semaphore(%arg9 : memref<!tpu.dma_semaphore, #tpu.memory_space<semaphore_mem>>)
    %scan3A_407 = arith.constant 0 : i32
    %scan3A_408 = arith.constant 256 : i32
    %scan3A_409 = arith.addi %scan3A_407, %scan3A_408 : i32
    %scan3A_410 = arith.constant 1 : i32
    %scan3A_411:4 = scf.for %scan3A_808 = %scan3A_407 to %scan3A_409 step %scan3A_410 iter_args(%scan3A_809 = %broadcast_in_dim3A_73, %scan3A_810 = %broadcast_in_dim3A_73, %scan3A_811 = %broadcast_in_dim3A_73, %scan3A_812 = %broadcast_in_dim3A_73) -> (vector<16xf32>, vector<16xf32>, vector<16xf32>, vector<16xf32>)  : i32 {
      %mul3A_813 = arith.constant 128 : i32
      %mul3A_814 = arith.muli %scan3A_808, %mul3A_813 : i32
      %add3A_815 = arith.constant 0 : i32
      %add3A_816 = arith.addi %mul3A_814, %add3A_815 : i32
      %get3A = arith.index_cast %add3A_816 : i32 to index
      %get3A_817 = tpu.vector_load %arg7[%get3A] {strides = array<i32>} : memref<32768xf32, #tpu.memory_space<vmem>>, vector<16xf32>,
      %get3A_818 = vector.shape_cast %get3A_817 : vector<16xf32> to vector<16xf32>
      %get3A_819 = arith.index_cast %add3A_816 : i32 to index
      %get3A_820 = tpu.vector_load %arg5[%get3A_819] {strides = array<i32>} : memref<32768xf32, #tpu.memory_space<vmem>>, vector<16xf32>,
      %get3A_821 = vector.shape_cast %get3A_820 : vector<16xf32> to vector<16xf32>
      %mul3A_822 = arith.mulf %get3A_818, %get3A_821 : vector<16xf32>
      %add3A_823 = arith.addf %scan3A_809, %mul3A_822 : vector<16xf32>
      %add3A_824 = arith.constant 16 : i32
      %add3A_825 = arith.addi %mul3A_814, %add3A_824 : i32
      %get3A_826 = arith.index_cast %add3A_825 : i32 to index
      %get3A_827 = tpu.vector_load %arg7[%get3A_826] {strides = array<i32>} : memref<32768xf32, #tpu.memory_space<vmem>>, vector<16xf32>,
      %get3A_828 = vector.shape_cast %get3A_827 : vector<16xf32> to vector<16xf32>
      %get3A_829 = arith.index_cast %add3A_825 : i32 to index
      %get3A_830 = tpu.vector_load %arg5[%get3A_829] {strides = array<i32>} : memref<32768xf32, #tpu.memory_space<vmem>>, vector<16xf32>,
      %get3A_831 = vector.shape_cast %get3A_830 : vector<16xf32> to vector<16xf32>
      %mul3A_832 = arith.mulf %get3A_828, %get3A_831 : vector<16xf32>
      %add3A_833 = arith.addf %scan3A_810, %mul3A_832 : vector<16xf32>
      %add3A_834 = arith.constant 32 : i32
      %add3A_835 = arith.addi %mul3A_814, %add3A_834 : i32
      %get3A_836 = arith.index_cast %add3A_835 : i32 to index
      %get3A_837 = tpu.vector_load %arg7[%get3A_836] {strides = array<i32>} : memref<32768xf32, #tpu.memory_space<vmem>>, vector<16xf32>,
      %get3A_838 = vector.shape_cast %get3A_837 : vector<16xf32> to vector<16xf32>
      %get3A_839 = arith.index_cast %add3A_835 : i32 to index
      %get3A_840 = tpu.vector_load %arg5[%get3A_839] {strides = array<i32>} : memref<32768xf32, #tpu.memory_space<vmem>>, vector<16xf32>,
      %get3A_841 = vector.shape_cast %get3A_840 : vector<16xf32> to vector<16xf32>
      %mul3A_842 = arith.mulf %get3A_838, %get3A_841 : vector<16xf32>
      %add3A_843 = arith.addf %scan3A_811, %mul3A_842 : vector<16xf32>
      %add3A_844 = arith.constant 48 : i32
      %add3A_845 = arith.addi %mul3A_814, %add3A_844 : i32
      %get3A_846 = arith.index_cast %add3A_845 : i32 to index
      %get3A_847 = tpu.vector_load %arg7[%get3A_846] {strides = array<i32>} : memref<32768xf32, #tpu.memory_space<vmem>>, vector<16xf32>,
      %get3A_848 = vector.shape_cast %get3A_847 : vector<16xf32> to vector<16xf32>
      %get3A_849 = arith.index_cast %add3A_845 : i32 to index
      %get3A_850 = tpu.vector_load %arg5[%get3A_849] {strides = array<i32>} : memref<32768xf32, #tpu.memory_space<vmem>>, vector<16xf32>,
      %get3A_851 = vector.shape_cast %get3A_850 : vector<16xf32> to vector<16xf32>
      %mul3A_852 = arith.mulf %get3A_848, %get3A_851 : vector<16xf32>
      %add3A_853 = arith.addf %scan3A_812, %mul3A_852 : vector<16xf32>
      %add3A_854 = arith.constant 64 : i32
      %add3A_855 = arith.addi %mul3A_814, %add3A_854 : i32
      %get3A_856 = arith.index_cast %add3A_855 : i32 to index
      %get3A_857 = tpu.vector_load %arg7[%get3A_856] {strides = array<i32>} : memref<32768xf32, #tpu.memory_space<vmem>>, vector<16xf32>,
      %get3A_858 = vector.shape_cast %get3A_857 : vector<16xf32> to vector<16xf32>
      %get3A_859 = arith.index_cast %add3A_855 : i32 to index
      %get3A_860 = tpu.vector_load %arg5[%get3A_859] {strides = array<i32>} : memref<32768xf32, #tpu.memory_space<vmem>>, vector<16xf32>,
      %get3A_861 = vector.shape_cast %get3A_860 : vector<16xf32> to vector<16xf32>
      %mul3A_862 = arith.mulf %get3A_858, %get3A_861 : vector<16xf32>
      %add3A_863 = arith.addf %add3A_823, %mul3A_862 : vector<16xf32>
      %add3A_864 = arith.constant 80 : i32
      %add3A_865 = arith.addi %mul3A_814, %add3A_864 : i32
      %get3A_866 = arith.index_cast %add3A_865 : i32 to index
      %get3A_867 = tpu.vector_load %arg7[%get3A_866] {strides = array<i32>} : memref<32768xf32, #tpu.memory_space<vmem>>, vector<16xf32>,
      %get3A_868 = vector.shape_cast %get3A_867 : vector<16xf32> to vector<16xf32>
      %get3A_869 = arith.index_cast %add3A_865 : i32 to index
      %get3A_870 = tpu.vector_load %arg5[%get3A_869] {strides = array<i32>} : memref<32768xf32, #tpu.memory_space<vmem>>, vector<16xf32>,
      %get3A_871 = vector.shape_cast %get3A_870 : vector<16xf32> to vector<16xf32>
      %mul3A_872 = arith.mulf %get3A_868, %get3A_871 : vector<16xf32>
      %add3A_873 = arith.addf %add3A_833, %mul3A_872 : vector<16xf32>
      %add3A_874 = arith.constant 96 : i32
      %add3A_875 = arith.addi %mul3A_814, %add3A_874 : i32
      %get3A_876 = arith.index_cast %add3A_875 : i32 to index
      %get3A_877 = tpu.vector_load %arg7[%get3A_876] {strides = array<i32>} : memref<32768xf32, #tpu.memory_space<vmem>>, vector<16xf32>,
      %get3A_878 = vector.shape_cast %get3A_877 : vector<16xf32> to vector<16xf32>
      %get3A_879 = arith.index_cast %add3A_875 : i32 to index
      %get3A_880 = tpu.vector_load %arg5[%get3A_879] {strides = array<i32>} : memref<32768xf32, #tpu.memory_space<vmem>>, vector<16xf32>,
      %get3A_881 = vector.shape_cast %get3A_880 : vector<16xf32> to vector<16xf32>
      %mul3A_882 = arith.mulf %get3A_878, %get3A_881 : vector<16xf32>
      %add3A_883 = arith.addf %add3A_843, %mul3A_882 : vector<16xf32>
      %add3A_884 = arith.constant 112 : i32
      %add3A_885 = arith.addi %mul3A_814, %add3A_884 : i32
      %get3A_886 = arith.index_cast %add3A_885 : i32 to index
      %get3A_887 = tpu.vector_load %arg7[%get3A_886] {strides = array<i32>} : memref<32768xf32, #tpu.memory_space<vmem>>, vector<16xf32>,
      %get3A_888 = vector.shape_cast %get3A_887 : vector<16xf32> to vector<16xf32>
      %get3A_889 = arith.index_cast %add3A_885 : i32 to index
      %get3A_890 = tpu.vector_load %arg5[%get3A_889] {strides = array<i32>} : memref<32768xf32, #tpu.memory_space<vmem>>, vector<16xf32>,
      %get3A_891 = vector.shape_cast %get3A_890 : vector<16xf32> to vector<16xf32>
      %mul3A_892 = arith.mulf %get3A_888, %get3A_891 : vector<16xf32>
      %add3A_893 = arith.addf %add3A_853, %mul3A_892 : vector<16xf32>
      scf.yield %add3A_863, %add3A_873, %add3A_883, %add3A_893 : vector<16xf32>, vector<16xf32>, vector<16xf32>, vector<16xf32>
    }
    %scan3A_412 = arith.constant 256 : i32
    %add3A_413 = arith.addf %scan3A_411#0, %scan3A_411#1 : vector<16xf32>
    %add3A_414 = arith.addf %scan3A_411#2, %scan3A_411#3 : vector<16xf32>
    %add3A_415 = arith.addf %add3A_413, %add3A_414 : vector<16xf32>
    %eq3A_416 = arith.constant 3 : i32
    %eq3A_417 = vector.broadcast %eq3A_416 : i32 to vector<16xi32>
    %eq3A_418 = arith.cmpi eq, %iota3A, %eq3A_417 : vector<16xi32>
    %xor3A_419 = arith.constant 1 : i32
    %xor3A_420 = vector.broadcast %xor3A_419 : i32 to vector<16xi32>
    %xor3A_421 = arith.xori %iota3A, %xor3A_420 : vector<16xi32>
    %lt3A_422 = arith.constant 0 : i32
    %lt3A_423 = vector.broadcast %lt3A_422 : i32 to vector<16xi32>
    %lt3A_424 = arith.cmpi slt, %xor3A_421, %lt3A_423 : vector<16xi32>
    %add3A_425 = arith.constant 16 : i32
    %add3A_426 = vector.broadcast %add3A_425 : i32 to vector<16xi32>
    %add3A_427 = arith.addi %xor3A_421, %add3A_426 : vector<16xi32>
    %select_n3A_428 = arith.select %lt3A_424, %add3A_427, %xor3A_421 : vector<16xi1>, vector<16xi32>
    %broadcast_in_dim3A_429 = vector.shape_cast %select_n3A_428 : vector<16xi32> to vector<16x1xi32>
    %gather3A_430 = vector.shape_cast %broadcast_in_dim3A_429 : vector<16x1xi32> to vector<16xi32>
    %gather3A_431 = tpu.dynamic_gather %add3A_415[%gather3A_430] in [0] : vector<16xf32>, vector<16xi32> -> vector<16xf32>
    %add3A_432 = arith.addf %add3A_415, %gather3A_431 : vector<16xf32>
    %xor3A_433 = arith.constant 2 : i32
    %xor3A_434 = vector.broadcast %xor3A_433 : i32 to vector<16xi32>
    %xor3A_435 = arith.xori %iota3A, %xor3A_434 : vector<16xi32>
    %lt3A_436 = arith.constant 0 : i32
    %lt3A_437 = vector.broadcast %lt3A_436 : i32 to vector<16xi32>
    %lt3A_438 = arith.cmpi slt, %xor3A_435, %lt3A_437 : vector<16xi32>
    %add3A_439 = arith.constant 16 : i32
    %add3A_440 = vector.broadcast %add3A_439 : i32 to vector<16xi32>
    %add3A_441 = arith.addi %xor3A_435, %add3A_440 : vector<16xi32>
    %select_n3A_442 = arith.select %lt3A_438, %add3A_441, %xor3A_435 : vector<16xi1>, vector<16xi32>
    %broadcast_in_dim3A_443 = vector.shape_cast %select_n3A_442 : vector<16xi32> to vector<16x1xi32>
    %gather3A_444 = vector.shape_cast %broadcast_in_dim3A_443 : vector<16x1xi32> to vector<16xi32>
    %gather3A_445 = tpu.dynamic_gather %add3A_432[%gather3A_444] in [0] : vector<16xf32>, vector<16xi32> -> vector<16xf32>
    %add3A_446 = arith.addf %add3A_432, %gather3A_445 : vector<16xf32>
    %xor3A_447 = arith.constant 4 : i32
    %xor3A_448 = vector.broadcast %xor3A_447 : i32 to vector<16xi32>
    %xor3A_449 = arith.xori %iota3A, %xor3A_448 : vector<16xi32>
    %lt3A_450 = arith.constant 0 : i32
    %lt3A_451 = vector.broadcast %lt3A_450 : i32 to vector<16xi32>
    %lt3A_452 = arith.cmpi slt, %xor3A_449, %lt3A_451 : vector<16xi32>
    %add3A_453 = arith.constant 16 : i32
    %add3A_454 = vector.broadcast %add3A_453 : i32 to vector<16xi32>
    %add3A_455 = arith.addi %xor3A_449, %add3A_454 : vector<16xi32>
    %select_n3A_456 = arith.select %lt3A_452, %add3A_455, %xor3A_449 : vector<16xi1>, vector<16xi32>
    %broadcast_in_dim3A_457 = vector.shape_cast %select_n3A_456 : vector<16xi32> to vector<16x1xi32>
    %gather3A_458 = vector.shape_cast %broadcast_in_dim3A_457 : vector<16x1xi32> to vector<16xi32>
    %gather3A_459 = tpu.dynamic_gather %add3A_446[%gather3A_458] in [0] : vector<16xf32>, vector<16xi32> -> vector<16xf32>
    %add3A_460 = arith.addf %add3A_446, %gather3A_459 : vector<16xf32>
    %xor3A_461 = arith.constant 8 : i32
    %xor3A_462 = vector.broadcast %xor3A_461 : i32 to vector<16xi32>
    %xor3A_463 = arith.xori %iota3A, %xor3A_462 : vector<16xi32>
    %lt3A_464 = arith.constant 0 : i32
    %lt3A_465 = vector.broadcast %lt3A_464 : i32 to vector<16xi32>
    %lt3A_466 = arith.cmpi slt, %xor3A_463, %lt3A_465 : vector<16xi32>
    %add3A_467 = arith.constant 16 : i32
    %add3A_468 = vector.broadcast %add3A_467 : i32 to vector<16xi32>
    %add3A_469 = arith.addi %xor3A_463, %add3A_468 : vector<16xi32>
    %select_n3A_470 = arith.select %lt3A_466, %add3A_469, %xor3A_463 : vector<16xi1>, vector<16xi32>
    %broadcast_in_dim3A_471 = vector.shape_cast %select_n3A_470 : vector<16xi32> to vector<16x1xi32>
    %gather3A_472 = vector.shape_cast %broadcast_in_dim3A_471 : vector<16x1xi32> to vector<16xi32>
    %gather3A_473 = tpu.dynamic_gather %add3A_460[%gather3A_472] in [0] : vector<16xf32>, vector<16xi32> -> vector<16xf32>
    %add3A_474 = arith.addf %add3A_460, %gather3A_473 : vector<16xf32>
    %mul3A_475 = arith.mulf %add3A_474, %div3A_140 : vector<16xf32>
    %select_n3A_476 = arith.select %eq3A_418, %mul3A_475, %select_n3A_392 : vector<16xi1>, vector<16xf32>
    %dma_wait3A_477 = arith.constant 0 : i32
    %dma_wait3A_478 = tpu.memref_slice %arg2[%add3A_4, %dma_wait3A_477] : memref<2048x32768xf32, #tpu.memory_space<hbm>> -> memref<1x32768xf32, #tpu.memory_space<hbm>>
    %dma_wait3A_479 = tpu.memref_squeeze %dma_wait3A_478 : memref<1x32768xf32, #tpu.memory_space<hbm>> -> memref<32768xf32, #tpu.memory_space<hbm>>
    %dma_wait3A_480 = arith.constant 0 : i32
    %dma_wait3A_481 = tpu.memref_slice %arg2[%add3A_4, %dma_wait3A_480] : memref<2048x32768xf32, #tpu.memory_space<hbm>> -> memref<1x32768xf32, #tpu.memory_space<hbm>>
    %dma_wait3A_482 = tpu.memref_squeeze %dma_wait3A_481 : memref<1x32768xf32, #tpu.memory_space<hbm>> -> memref<32768xf32, #tpu.memory_space<hbm>>
    tpu.wait_dma2 semaphore(%arg9 : memref<!tpu.dma_semaphore, #tpu.memory_space<semaphore_mem>>) src(%dma_wait3A_482 : memref<32768xf32, #tpu.memory_space<hbm>>) dst(%arg6 : memref<32768xf32, #tpu.memory_space<vmem>>)
    %add3A_483 = arith.constant 5 : i32
    %add3A_484 = arith.addi %add3A_4, %add3A_483 : i32
    %dma_start3A_485 = arith.constant 0 : i32
    %dma_start3A_486 = tpu.memref_slice %arg2[%add3A_484, %dma_start3A_485] : memref<2048x32768xf32, #tpu.memory_space<hbm>> -> memref<1x32768xf32, #tpu.memory_space<hbm>>
    %dma_start3A_487 = tpu.memref_squeeze %dma_start3A_486 : memref<1x32768xf32, #tpu.memory_space<hbm>> -> memref<32768xf32, #tpu.memory_space<hbm>>
    %dma_start3A_488 = arith.constant 0 : i32
    %dma_start3A_489 = tpu.memref_slice %arg2[%add3A_484, %dma_start3A_488] : memref<2048x32768xf32, #tpu.memory_space<hbm>> -> memref<1x32768xf32, #tpu.memory_space<hbm>>
    %dma_start3A_490 = tpu.memref_squeeze %dma_start3A_489 : memref<1x32768xf32, #tpu.memory_space<hbm>> -> memref<32768xf32, #tpu.memory_space<hbm>>
    tpu.enqueue_dma source(%dma_start3A_490 : memref<32768xf32, #tpu.memory_space<hbm>>) target(%arg7 : memref<32768xf32, #tpu.memory_space<vmem>>) target_semaphore(%arg10 : memref<!tpu.dma_semaphore, #tpu.memory_space<semaphore_mem>>)
    %scan3A_491 = arith.constant 0 : i32
    %scan3A_492 = arith.constant 256 : i32
    %scan3A_493 = arith.addi %scan3A_491, %scan3A_492 : i32
    %scan3A_494 = arith.constant 1 : i32
    %scan3A_495:4 = scf.for %scan3A_808 = %scan3A_491 to %scan3A_493 step %scan3A_494 iter_args(%scan3A_809 = %broadcast_in_dim3A_73, %scan3A_810 = %broadcast_in_dim3A_73, %scan3A_811 = %broadcast_in_dim3A_73, %scan3A_812 = %broadcast_in_dim3A_73) -> (vector<16xf32>, vector<16xf32>, vector<16xf32>, vector<16xf32>)  : i32 {
      %mul3A_813 = arith.constant 128 : i32
      %mul3A_814 = arith.muli %scan3A_808, %mul3A_813 : i32
      %add3A_815 = arith.constant 0 : i32
      %add3A_816 = arith.addi %mul3A_814, %add3A_815 : i32
      %get3A = arith.index_cast %add3A_816 : i32 to index
      %get3A_817 = tpu.vector_load %arg6[%get3A] {strides = array<i32>} : memref<32768xf32, #tpu.memory_space<vmem>>, vector<16xf32>,
      %get3A_818 = vector.shape_cast %get3A_817 : vector<16xf32> to vector<16xf32>
      %get3A_819 = arith.index_cast %add3A_816 : i32 to index
      %get3A_820 = tpu.vector_load %arg5[%get3A_819] {strides = array<i32>} : memref<32768xf32, #tpu.memory_space<vmem>>, vector<16xf32>,
      %get3A_821 = vector.shape_cast %get3A_820 : vector<16xf32> to vector<16xf32>
      %mul3A_822 = arith.mulf %get3A_818, %get3A_821 : vector<16xf32>
      %add3A_823 = arith.addf %scan3A_809, %mul3A_822 : vector<16xf32>
      %add3A_824 = arith.constant 16 : i32
      %add3A_825 = arith.addi %mul3A_814, %add3A_824 : i32
      %get3A_826 = arith.index_cast %add3A_825 : i32 to index
      %get3A_827 = tpu.vector_load %arg6[%get3A_826] {strides = array<i32>} : memref<32768xf32, #tpu.memory_space<vmem>>, vector<16xf32>,
      %get3A_828 = vector.shape_cast %get3A_827 : vector<16xf32> to vector<16xf32>
      %get3A_829 = arith.index_cast %add3A_825 : i32 to index
      %get3A_830 = tpu.vector_load %arg5[%get3A_829] {strides = array<i32>} : memref<32768xf32, #tpu.memory_space<vmem>>, vector<16xf32>,
      %get3A_831 = vector.shape_cast %get3A_830 : vector<16xf32> to vector<16xf32>
      %mul3A_832 = arith.mulf %get3A_828, %get3A_831 : vector<16xf32>
      %add3A_833 = arith.addf %scan3A_810, %mul3A_832 : vector<16xf32>
      %add3A_834 = arith.constant 32 : i32
      %add3A_835 = arith.addi %mul3A_814, %add3A_834 : i32
      %get3A_836 = arith.index_cast %add3A_835 : i32 to index
      %get3A_837 = tpu.vector_load %arg6[%get3A_836] {strides = array<i32>} : memref<32768xf32, #tpu.memory_space<vmem>>, vector<16xf32>,
      %get3A_838 = vector.shape_cast %get3A_837 : vector<16xf32> to vector<16xf32>
      %get3A_839 = arith.index_cast %add3A_835 : i32 to index
      %get3A_840 = tpu.vector_load %arg5[%get3A_839] {strides = array<i32>} : memref<32768xf32, #tpu.memory_space<vmem>>, vector<16xf32>,
      %get3A_841 = vector.shape_cast %get3A_840 : vector<16xf32> to vector<16xf32>
      %mul3A_842 = arith.mulf %get3A_838, %get3A_841 : vector<16xf32>
      %add3A_843 = arith.addf %scan3A_811, %mul3A_842 : vector<16xf32>
      %add3A_844 = arith.constant 48 : i32
      %add3A_845 = arith.addi %mul3A_814, %add3A_844 : i32
      %get3A_846 = arith.index_cast %add3A_845 : i32 to index
      %get3A_847 = tpu.vector_load %arg6[%get3A_846] {strides = array<i32>} : memref<32768xf32, #tpu.memory_space<vmem>>, vector<16xf32>,
      %get3A_848 = vector.shape_cast %get3A_847 : vector<16xf32> to vector<16xf32>
      %get3A_849 = arith.index_cast %add3A_845 : i32 to index
      %get3A_850 = tpu.vector_load %arg5[%get3A_849] {strides = array<i32>} : memref<32768xf32, #tpu.memory_space<vmem>>, vector<16xf32>,
      %get3A_851 = vector.shape_cast %get3A_850 : vector<16xf32> to vector<16xf32>
      %mul3A_852 = arith.mulf %get3A_848, %get3A_851 : vector<16xf32>
      %add3A_853 = arith.addf %scan3A_812, %mul3A_852 : vector<16xf32>
      %add3A_854 = arith.constant 64 : i32
      %add3A_855 = arith.addi %mul3A_814, %add3A_854 : i32
      %get3A_856 = arith.index_cast %add3A_855 : i32 to index
      %get3A_857 = tpu.vector_load %arg6[%get3A_856] {strides = array<i32>} : memref<32768xf32, #tpu.memory_space<vmem>>, vector<16xf32>,
      %get3A_858 = vector.shape_cast %get3A_857 : vector<16xf32> to vector<16xf32>
      %get3A_859 = arith.index_cast %add3A_855 : i32 to index
      %get3A_860 = tpu.vector_load %arg5[%get3A_859] {strides = array<i32>} : memref<32768xf32, #tpu.memory_space<vmem>>, vector<16xf32>,
      %get3A_861 = vector.shape_cast %get3A_860 : vector<16xf32> to vector<16xf32>
      %mul3A_862 = arith.mulf %get3A_858, %get3A_861 : vector<16xf32>
      %add3A_863 = arith.addf %add3A_823, %mul3A_862 : vector<16xf32>
      %add3A_864 = arith.constant 80 : i32
      %add3A_865 = arith.addi %mul3A_814, %add3A_864 : i32
      %get3A_866 = arith.index_cast %add3A_865 : i32 to index
      %get3A_867 = tpu.vector_load %arg6[%get3A_866] {strides = array<i32>} : memref<32768xf32, #tpu.memory_space<vmem>>, vector<16xf32>,
      %get3A_868 = vector.shape_cast %get3A_867 : vector<16xf32> to vector<16xf32>
      %get3A_869 = arith.index_cast %add3A_865 : i32 to index
      %get3A_870 = tpu.vector_load %arg5[%get3A_869] {strides = array<i32>} : memref<32768xf32, #tpu.memory_space<vmem>>, vector<16xf32>,
      %get3A_871 = vector.shape_cast %get3A_870 : vector<16xf32> to vector<16xf32>
      %mul3A_872 = arith.mulf %get3A_868, %get3A_871 : vector<16xf32>
      %add3A_873 = arith.addf %add3A_833, %mul3A_872 : vector<16xf32>
      %add3A_874 = arith.constant 96 : i32
      %add3A_875 = arith.addi %mul3A_814, %add3A_874 : i32
      %get3A_876 = arith.index_cast %add3A_875 : i32 to index
      %get3A_877 = tpu.vector_load %arg6[%get3A_876] {strides = array<i32>} : memref<32768xf32, #tpu.memory_space<vmem>>, vector<16xf32>,
      %get3A_878 = vector.shape_cast %get3A_877 : vector<16xf32> to vector<16xf32>
      %get3A_879 = arith.index_cast %add3A_875 : i32 to index
      %get3A_880 = tpu.vector_load %arg5[%get3A_879] {strides = array<i32>} : memref<32768xf32, #tpu.memory_space<vmem>>, vector<16xf32>,
      %get3A_881 = vector.shape_cast %get3A_880 : vector<16xf32> to vector<16xf32>
      %mul3A_882 = arith.mulf %get3A_878, %get3A_881 : vector<16xf32>
      %add3A_883 = arith.addf %add3A_843, %mul3A_882 : vector<16xf32>
      %add3A_884 = arith.constant 112 : i32
      %add3A_885 = arith.addi %mul3A_814, %add3A_884 : i32
      %get3A_886 = arith.index_cast %add3A_885 : i32 to index
      %get3A_887 = tpu.vector_load %arg6[%get3A_886] {strides = array<i32>} : memref<32768xf32, #tpu.memory_space<vmem>>, vector<16xf32>,
      %get3A_888 = vector.shape_cast %get3A_887 : vector<16xf32> to vector<16xf32>
      %get3A_889 = arith.index_cast %add3A_885 : i32 to index
      %get3A_890 = tpu.vector_load %arg5[%get3A_889] {strides = array<i32>} : memref<32768xf32, #tpu.memory_space<vmem>>, vector<16xf32>,
      %get3A_891 = vector.shape_cast %get3A_890 : vector<16xf32> to vector<16xf32>
      %mul3A_892 = arith.mulf %get3A_888, %get3A_891 : vector<16xf32>
      %add3A_893 = arith.addf %add3A_853, %mul3A_892 : vector<16xf32>
      scf.yield %add3A_863, %add3A_873, %add3A_883, %add3A_893 : vector<16xf32>, vector<16xf32>, vector<16xf32>, vector<16xf32>
    }
    %scan3A_496 = arith.constant 256 : i32
    %add3A_497 = arith.addf %scan3A_495#0, %scan3A_495#1 : vector<16xf32>
    %add3A_498 = arith.addf %scan3A_495#2, %scan3A_495#3 : vector<16xf32>
    %add3A_499 = arith.addf %add3A_497, %add3A_498 : vector<16xf32>
    %eq3A_500 = arith.constant 4 : i32
    %eq3A_501 = vector.broadcast %eq3A_500 : i32 to vector<16xi32>
    %eq3A_502 = arith.cmpi eq, %iota3A, %eq3A_501 : vector<16xi32>
    %xor3A_503 = arith.constant 1 : i32
    %xor3A_504 = vector.broadcast %xor3A_503 : i32 to vector<16xi32>
    %xor3A_505 = arith.xori %iota3A, %xor3A_504 : vector<16xi32>
    %lt3A_506 = arith.constant 0 : i32
    %lt3A_507 = vector.broadcast %lt3A_506 : i32 to vector<16xi32>
    %lt3A_508 = arith.cmpi slt, %xor3A_505, %lt3A_507 : vector<16xi32>
    %add3A_509 = arith.constant 16 : i32
    %add3A_510 = vector.broadcast %add3A_509 : i32 to vector<16xi32>
    %add3A_511 = arith.addi %xor3A_505, %add3A_510 : vector<16xi32>
    %select_n3A_512 = arith.select %lt3A_508, %add3A_511, %xor3A_505 : vector<16xi1>, vector<16xi32>
    %broadcast_in_dim3A_513 = vector.shape_cast %select_n3A_512 : vector<16xi32> to vector<16x1xi32>
    %gather3A_514 = vector.shape_cast %broadcast_in_dim3A_513 : vector<16x1xi32> to vector<16xi32>
    %gather3A_515 = tpu.dynamic_gather %add3A_499[%gather3A_514] in [0] : vector<16xf32>, vector<16xi32> -> vector<16xf32>
    %add3A_516 = arith.addf %add3A_499, %gather3A_515 : vector<16xf32>
    %xor3A_517 = arith.constant 2 : i32
    %xor3A_518 = vector.broadcast %xor3A_517 : i32 to vector<16xi32>
    %xor3A_519 = arith.xori %iota3A, %xor3A_518 : vector<16xi32>
    %lt3A_520 = arith.constant 0 : i32
    %lt3A_521 = vector.broadcast %lt3A_520 : i32 to vector<16xi32>
    %lt3A_522 = arith.cmpi slt, %xor3A_519, %lt3A_521 : vector<16xi32>
    %add3A_523 = arith.constant 16 : i32
    %add3A_524 = vector.broadcast %add3A_523 : i32 to vector<16xi32>
    %add3A_525 = arith.addi %xor3A_519, %add3A_524 : vector<16xi32>
    %select_n3A_526 = arith.select %lt3A_522, %add3A_525, %xor3A_519 : vector<16xi1>, vector<16xi32>
    %broadcast_in_dim3A_527 = vector.shape_cast %select_n3A_526 : vector<16xi32> to vector<16x1xi32>
    %gather3A_528 = vector.shape_cast %broadcast_in_dim3A_527 : vector<16x1xi32> to vector<16xi32>
    %gather3A_529 = tpu.dynamic_gather %add3A_516[%gather3A_528] in [0] : vector<16xf32>, vector<16xi32> -> vector<16xf32>
    %add3A_530 = arith.addf %add3A_516, %gather3A_529 : vector<16xf32>
    %xor3A_531 = arith.constant 4 : i32
    %xor3A_532 = vector.broadcast %xor3A_531 : i32 to vector<16xi32>
    %xor3A_533 = arith.xori %iota3A, %xor3A_532 : vector<16xi32>
    %lt3A_534 = arith.constant 0 : i32
    %lt3A_535 = vector.broadcast %lt3A_534 : i32 to vector<16xi32>
    %lt3A_536 = arith.cmpi slt, %xor3A_533, %lt3A_535 : vector<16xi32>
    %add3A_537 = arith.constant 16 : i32
    %add3A_538 = vector.broadcast %add3A_537 : i32 to vector<16xi32>
    %add3A_539 = arith.addi %xor3A_533, %add3A_538 : vector<16xi32>
    %select_n3A_540 = arith.select %lt3A_536, %add3A_539, %xor3A_533 : vector<16xi1>, vector<16xi32>
    %broadcast_in_dim3A_541 = vector.shape_cast %select_n3A_540 : vector<16xi32> to vector<16x1xi32>
    %gather3A_542 = vector.shape_cast %broadcast_in_dim3A_541 : vector<16x1xi32> to vector<16xi32>
    %gather3A_543 = tpu.dynamic_gather %add3A_530[%gather3A_542] in [0] : vector<16xf32>, vector<16xi32> -> vector<16xf32>
    %add3A_544 = arith.addf %add3A_530, %gather3A_543 : vector<16xf32>
    %xor3A_545 = arith.constant 8 : i32
    %xor3A_546 = vector.broadcast %xor3A_545 : i32 to vector<16xi32>
    %xor3A_547 = arith.xori %iota3A, %xor3A_546 : vector<16xi32>
    %lt3A_548 = arith.constant 0 : i32
    %lt3A_549 = vector.broadcast %lt3A_548 : i32 to vector<16xi32>
    %lt3A_550 = arith.cmpi slt, %xor3A_547, %lt3A_549 : vector<16xi32>
    %add3A_551 = arith.constant 16 : i32
    %add3A_552 = vector.broadcast %add3A_551 : i32 to vector<16xi32>
    %add3A_553 = arith.addi %xor3A_547, %add3A_552 : vector<16xi32>
    %select_n3A_554 = arith.select %lt3A_550, %add3A_553, %xor3A_547 : vector<16xi1>, vector<16xi32>
    %broadcast_in_dim3A_555 = vector.shape_cast %select_n3A_554 : vector<16xi32> to vector<16x1xi32>
    %gather3A_556 = vector.shape_cast %broadcast_in_dim3A_555 : vector<16x1xi32> to vector<16xi32>
    %gather3A_557 = tpu.dynamic_gather %add3A_544[%gather3A_556] in [0] : vector<16xf32>, vector<16xi32> -> vector<16xf32>
    %add3A_558 = arith.addf %add3A_544, %gather3A_557 : vector<16xf32>
    %mul3A_559 = arith.mulf %add3A_558, %div3A_140 : vector<16xf32>
    %select_n3A_560 = arith.select %eq3A_502, %mul3A_559, %select_n3A_476 : vector<16xi1>, vector<16xf32>
    %dma_wait3A_561 = arith.constant 0 : i32
    %dma_wait3A_562 = tpu.memref_slice %arg2[%add3A_4, %dma_wait3A_561] : memref<2048x32768xf32, #tpu.memory_space<hbm>> -> memref<1x32768xf32, #tpu.memory_space<hbm>>
    %dma_wait3A_563 = tpu.memref_squeeze %dma_wait3A_562 : memref<1x32768xf32, #tpu.memory_space<hbm>> -> memref<32768xf32, #tpu.memory_space<hbm>>
    %dma_wait3A_564 = arith.constant 0 : i32
    %dma_wait3A_565 = tpu.memref_slice %arg2[%add3A_4, %dma_wait3A_564] : memref<2048x32768xf32, #tpu.memory_space<hbm>> -> memref<1x32768xf32, #tpu.memory_space<hbm>>
    %dma_wait3A_566 = tpu.memref_squeeze %dma_wait3A_565 : memref<1x32768xf32, #tpu.memory_space<hbm>> -> memref<32768xf32, #tpu.memory_space<hbm>>
    tpu.wait_dma2 semaphore(%arg10 : memref<!tpu.dma_semaphore, #tpu.memory_space<semaphore_mem>>) src(%dma_wait3A_566 : memref<32768xf32, #tpu.memory_space<hbm>>) dst(%arg7 : memref<32768xf32, #tpu.memory_space<vmem>>)
    %add3A_567 = arith.constant 6 : i32
    %add3A_568 = arith.addi %add3A_4, %add3A_567 : i32
    %dma_start3A_569 = arith.constant 0 : i32
    %dma_start3A_570 = tpu.memref_slice %arg2[%add3A_568, %dma_start3A_569] : memref<2048x32768xf32, #tpu.memory_space<hbm>> -> memref<1x32768xf32, #tpu.memory_space<hbm>>
    %dma_start3A_571 = tpu.memref_squeeze %dma_start3A_570 : memref<1x32768xf32, #tpu.memory_space<hbm>> -> memref<32768xf32, #tpu.memory_space<hbm>>
    %dma_start3A_572 = arith.constant 0 : i32
    %dma_start3A_573 = tpu.memref_slice %arg2[%add3A_568, %dma_start3A_572] : memref<2048x32768xf32, #tpu.memory_space<hbm>> -> memref<1x32768xf32, #tpu.memory_space<hbm>>
    %dma_start3A_574 = tpu.memref_squeeze %dma_start3A_573 : memref<1x32768xf32, #tpu.memory_space<hbm>> -> memref<32768xf32, #tpu.memory_space<hbm>>
    tpu.enqueue_dma source(%dma_start3A_574 : memref<32768xf32, #tpu.memory_space<hbm>>) target(%arg6 : memref<32768xf32, #tpu.memory_space<vmem>>) target_semaphore(%arg9 : memref<!tpu.dma_semaphore, #tpu.memory_space<semaphore_mem>>)
    %scan3A_575 = arith.constant 0 : i32
    %scan3A_576 = arith.constant 256 : i32
    %scan3A_577 = arith.addi %scan3A_575, %scan3A_576 : i32
    %scan3A_578 = arith.constant 1 : i32
    %scan3A_579:4 = scf.for %scan3A_808 = %scan3A_575 to %scan3A_577 step %scan3A_578 iter_args(%scan3A_809 = %broadcast_in_dim3A_73, %scan3A_810 = %broadcast_in_dim3A_73, %scan3A_811 = %broadcast_in_dim3A_73, %scan3A_812 = %broadcast_in_dim3A_73) -> (vector<16xf32>, vector<16xf32>, vector<16xf32>, vector<16xf32>)  : i32 {
      %mul3A_813 = arith.constant 128 : i32
      %mul3A_814 = arith.muli %scan3A_808, %mul3A_813 : i32
      %add3A_815 = arith.constant 0 : i32
      %add3A_816 = arith.addi %mul3A_814, %add3A_815 : i32
      %get3A = arith.index_cast %add3A_816 : i32 to index
      %get3A_817 = tpu.vector_load %arg7[%get3A] {strides = array<i32>} : memref<32768xf32, #tpu.memory_space<vmem>>, vector<16xf32>,
      %get3A_818 = vector.shape_cast %get3A_817 : vector<16xf32> to vector<16xf32>
      %get3A_819 = arith.index_cast %add3A_816 : i32 to index
      %get3A_820 = tpu.vector_load %arg5[%get3A_819] {strides = array<i32>} : memref<32768xf32, #tpu.memory_space<vmem>>, vector<16xf32>,
      %get3A_821 = vector.shape_cast %get3A_820 : vector<16xf32> to vector<16xf32>
      %mul3A_822 = arith.mulf %get3A_818, %get3A_821 : vector<16xf32>
      %add3A_823 = arith.addf %scan3A_809, %mul3A_822 : vector<16xf32>
      %add3A_824 = arith.constant 16 : i32
      %add3A_825 = arith.addi %mul3A_814, %add3A_824 : i32
      %get3A_826 = arith.index_cast %add3A_825 : i32 to index
      %get3A_827 = tpu.vector_load %arg7[%get3A_826] {strides = array<i32>} : memref<32768xf32, #tpu.memory_space<vmem>>, vector<16xf32>,
      %get3A_828 = vector.shape_cast %get3A_827 : vector<16xf32> to vector<16xf32>
      %get3A_829 = arith.index_cast %add3A_825 : i32 to index
      %get3A_830 = tpu.vector_load %arg5[%get3A_829] {strides = array<i32>} : memref<32768xf32, #tpu.memory_space<vmem>>, vector<16xf32>,
      %get3A_831 = vector.shape_cast %get3A_830 : vector<16xf32> to vector<16xf32>
      %mul3A_832 = arith.mulf %get3A_828, %get3A_831 : vector<16xf32>
      %add3A_833 = arith.addf %scan3A_810, %mul3A_832 : vector<16xf32>
      %add3A_834 = arith.constant 32 : i32
      %add3A_835 = arith.addi %mul3A_814, %add3A_834 : i32
      %get3A_836 = arith.index_cast %add3A_835 : i32 to index
      %get3A_837 = tpu.vector_load %arg7[%get3A_836] {strides = array<i32>} : memref<32768xf32, #tpu.memory_space<vmem>>, vector<16xf32>,
      %get3A_838 = vector.shape_cast %get3A_837 : vector<16xf32> to vector<16xf32>
      %get3A_839 = arith.index_cast %add3A_835 : i32 to index
      %get3A_840 = tpu.vector_load %arg5[%get3A_839] {strides = array<i32>} : memref<32768xf32, #tpu.memory_space<vmem>>, vector<16xf32>,
      %get3A_841 = vector.shape_cast %get3A_840 : vector<16xf32> to vector<16xf32>
      %mul3A_842 = arith.mulf %get3A_838, %get3A_841 : vector<16xf32>
      %add3A_843 = arith.addf %scan3A_811, %mul3A_842 : vector<16xf32>
      %add3A_844 = arith.constant 48 : i32
      %add3A_845 = arith.addi %mul3A_814, %add3A_844 : i32
      %get3A_846 = arith.index_cast %add3A_845 : i32 to index
      %get3A_847 = tpu.vector_load %arg7[%get3A_846] {strides = array<i32>} : memref<32768xf32, #tpu.memory_space<vmem>>, vector<16xf32>,
      %get3A_848 = vector.shape_cast %get3A_847 : vector<16xf32> to vector<16xf32>
      %get3A_849 = arith.index_cast %add3A_845 : i32 to index
      %get3A_850 = tpu.vector_load %arg5[%get3A_849] {strides = array<i32>} : memref<32768xf32, #tpu.memory_space<vmem>>, vector<16xf32>,
      %get3A_851 = vector.shape_cast %get3A_850 : vector<16xf32> to vector<16xf32>
      %mul3A_852 = arith.mulf %get3A_848, %get3A_851 : vector<16xf32>
      %add3A_853 = arith.addf %scan3A_812, %mul3A_852 : vector<16xf32>
      %add3A_854 = arith.constant 64 : i32
      %add3A_855 = arith.addi %mul3A_814, %add3A_854 : i32
      %get3A_856 = arith.index_cast %add3A_855 : i32 to index
      %get3A_857 = tpu.vector_load %arg7[%get3A_856] {strides = array<i32>} : memref<32768xf32, #tpu.memory_space<vmem>>, vector<16xf32>,
      %get3A_858 = vector.shape_cast %get3A_857 : vector<16xf32> to vector<16xf32>
      %get3A_859 = arith.index_cast %add3A_855 : i32 to index
      %get3A_860 = tpu.vector_load %arg5[%get3A_859] {strides = array<i32>} : memref<32768xf32, #tpu.memory_space<vmem>>, vector<16xf32>,
      %get3A_861 = vector.shape_cast %get3A_860 : vector<16xf32> to vector<16xf32>
      %mul3A_862 = arith.mulf %get3A_858, %get3A_861 : vector<16xf32>
      %add3A_863 = arith.addf %add3A_823, %mul3A_862 : vector<16xf32>
      %add3A_864 = arith.constant 80 : i32
      %add3A_865 = arith.addi %mul3A_814, %add3A_864 : i32
      %get3A_866 = arith.index_cast %add3A_865 : i32 to index
      %get3A_867 = tpu.vector_load %arg7[%get3A_866] {strides = array<i32>} : memref<32768xf32, #tpu.memory_space<vmem>>, vector<16xf32>,
      %get3A_868 = vector.shape_cast %get3A_867 : vector<16xf32> to vector<16xf32>
      %get3A_869 = arith.index_cast %add3A_865 : i32 to index
      %get3A_870 = tpu.vector_load %arg5[%get3A_869] {strides = array<i32>} : memref<32768xf32, #tpu.memory_space<vmem>>, vector<16xf32>,
      %get3A_871 = vector.shape_cast %get3A_870 : vector<16xf32> to vector<16xf32>
      %mul3A_872 = arith.mulf %get3A_868, %get3A_871 : vector<16xf32>
      %add3A_873 = arith.addf %add3A_833, %mul3A_872 : vector<16xf32>
      %add3A_874 = arith.constant 96 : i32
      %add3A_875 = arith.addi %mul3A_814, %add3A_874 : i32
      %get3A_876 = arith.index_cast %add3A_875 : i32 to index
      %get3A_877 = tpu.vector_load %arg7[%get3A_876] {strides = array<i32>} : memref<32768xf32, #tpu.memory_space<vmem>>, vector<16xf32>,
      %get3A_878 = vector.shape_cast %get3A_877 : vector<16xf32> to vector<16xf32>
      %get3A_879 = arith.index_cast %add3A_875 : i32 to index
      %get3A_880 = tpu.vector_load %arg5[%get3A_879] {strides = array<i32>} : memref<32768xf32, #tpu.memory_space<vmem>>, vector<16xf32>,
      %get3A_881 = vector.shape_cast %get3A_880 : vector<16xf32> to vector<16xf32>
      %mul3A_882 = arith.mulf %get3A_878, %get3A_881 : vector<16xf32>
      %add3A_883 = arith.addf %add3A_843, %mul3A_882 : vector<16xf32>
      %add3A_884 = arith.constant 112 : i32
      %add3A_885 = arith.addi %mul3A_814, %add3A_884 : i32
      %get3A_886 = arith.index_cast %add3A_885 : i32 to index
      %get3A_887 = tpu.vector_load %arg7[%get3A_886] {strides = array<i32>} : memref<32768xf32, #tpu.memory_space<vmem>>, vector<16xf32>,
      %get3A_888 = vector.shape_cast %get3A_887 : vector<16xf32> to vector<16xf32>
      %get3A_889 = arith.index_cast %add3A_885 : i32 to index
      %get3A_890 = tpu.vector_load %arg5[%get3A_889] {strides = array<i32>} : memref<32768xf32, #tpu.memory_space<vmem>>, vector<16xf32>,
      %get3A_891 = vector.shape_cast %get3A_890 : vector<16xf32> to vector<16xf32>
      %mul3A_892 = arith.mulf %get3A_888, %get3A_891 : vector<16xf32>
      %add3A_893 = arith.addf %add3A_853, %mul3A_892 : vector<16xf32>
      scf.yield %add3A_863, %add3A_873, %add3A_883, %add3A_893 : vector<16xf32>, vector<16xf32>, vector<16xf32>, vector<16xf32>
    }
    %scan3A_580 = arith.constant 256 : i32
    %add3A_581 = arith.addf %scan3A_579#0, %scan3A_579#1 : vector<16xf32>
    %add3A_582 = arith.addf %scan3A_579#2, %scan3A_579#3 : vector<16xf32>
    %add3A_583 = arith.addf %add3A_581, %add3A_582 : vector<16xf32>
    %eq3A_584 = arith.constant 5 : i32
    %eq3A_585 = vector.broadcast %eq3A_584 : i32 to vector<16xi32>
    %eq3A_586 = arith.cmpi eq, %iota3A, %eq3A_585 : vector<16xi32>
    %xor3A_587 = arith.constant 1 : i32
    %xor3A_588 = vector.broadcast %xor3A_587 : i32 to vector<16xi32>
    %xor3A_589 = arith.xori %iota3A, %xor3A_588 : vector<16xi32>
    %lt3A_590 = arith.constant 0 : i32
    %lt3A_591 = vector.broadcast %lt3A_590 : i32 to vector<16xi32>
    %lt3A_592 = arith.cmpi slt, %xor3A_589, %lt3A_591 : vector<16xi32>
    %add3A_593 = arith.constant 16 : i32
    %add3A_594 = vector.broadcast %add3A_593 : i32 to vector<16xi32>
    %add3A_595 = arith.addi %xor3A_589, %add3A_594 : vector<16xi32>
    %select_n3A_596 = arith.select %lt3A_592, %add3A_595, %xor3A_589 : vector<16xi1>, vector<16xi32>
    %broadcast_in_dim3A_597 = vector.shape_cast %select_n3A_596 : vector<16xi32> to vector<16x1xi32>
    %gather3A_598 = vector.shape_cast %broadcast_in_dim3A_597 : vector<16x1xi32> to vector<16xi32>
    %gather3A_599 = tpu.dynamic_gather %add3A_583[%gather3A_598] in [0] : vector<16xf32>, vector<16xi32> -> vector<16xf32>
    %add3A_600 = arith.addf %add3A_583, %gather3A_599 : vector<16xf32>
    %xor3A_601 = arith.constant 2 : i32
    %xor3A_602 = vector.broadcast %xor3A_601 : i32 to vector<16xi32>
    %xor3A_603 = arith.xori %iota3A, %xor3A_602 : vector<16xi32>
    %lt3A_604 = arith.constant 0 : i32
    %lt3A_605 = vector.broadcast %lt3A_604 : i32 to vector<16xi32>
    %lt3A_606 = arith.cmpi slt, %xor3A_603, %lt3A_605 : vector<16xi32>
    %add3A_607 = arith.constant 16 : i32
    %add3A_608 = vector.broadcast %add3A_607 : i32 to vector<16xi32>
    %add3A_609 = arith.addi %xor3A_603, %add3A_608 : vector<16xi32>
    %select_n3A_610 = arith.select %lt3A_606, %add3A_609, %xor3A_603 : vector<16xi1>, vector<16xi32>
    %broadcast_in_dim3A_611 = vector.shape_cast %select_n3A_610 : vector<16xi32> to vector<16x1xi32>
    %gather3A_612 = vector.shape_cast %broadcast_in_dim3A_611 : vector<16x1xi32> to vector<16xi32>
    %gather3A_613 = tpu.dynamic_gather %add3A_600[%gather3A_612] in [0] : vector<16xf32>, vector<16xi32> -> vector<16xf32>
    %add3A_614 = arith.addf %add3A_600, %gather3A_613 : vector<16xf32>
    %xor3A_615 = arith.constant 4 : i32
    %xor3A_616 = vector.broadcast %xor3A_615 : i32 to vector<16xi32>
    %xor3A_617 = arith.xori %iota3A, %xor3A_616 : vector<16xi32>
    %lt3A_618 = arith.constant 0 : i32
    %lt3A_619 = vector.broadcast %lt3A_618 : i32 to vector<16xi32>
    %lt3A_620 = arith.cmpi slt, %xor3A_617, %lt3A_619 : vector<16xi32>
    %add3A_621 = arith.constant 16 : i32
    %add3A_622 = vector.broadcast %add3A_621 : i32 to vector<16xi32>
    %add3A_623 = arith.addi %xor3A_617, %add3A_622 : vector<16xi32>
    %select_n3A_624 = arith.select %lt3A_620, %add3A_623, %xor3A_617 : vector<16xi1>, vector<16xi32>
    %broadcast_in_dim3A_625 = vector.shape_cast %select_n3A_624 : vector<16xi32> to vector<16x1xi32>
    %gather3A_626 = vector.shape_cast %broadcast_in_dim3A_625 : vector<16x1xi32> to vector<16xi32>
    %gather3A_627 = tpu.dynamic_gather %add3A_614[%gather3A_626] in [0] : vector<16xf32>, vector<16xi32> -> vector<16xf32>
    %add3A_628 = arith.addf %add3A_614, %gather3A_627 : vector<16xf32>
    %xor3A_629 = arith.constant 8 : i32
    %xor3A_630 = vector.broadcast %xor3A_629 : i32 to vector<16xi32>
    %xor3A_631 = arith.xori %iota3A, %xor3A_630 : vector<16xi32>
    %lt3A_632 = arith.constant 0 : i32
    %lt3A_633 = vector.broadcast %lt3A_632 : i32 to vector<16xi32>
    %lt3A_634 = arith.cmpi slt, %xor3A_631, %lt3A_633 : vector<16xi32>
    %add3A_635 = arith.constant 16 : i32
    %add3A_636 = vector.broadcast %add3A_635 : i32 to vector<16xi32>
    %add3A_637 = arith.addi %xor3A_631, %add3A_636 : vector<16xi32>
    %select_n3A_638 = arith.select %lt3A_634, %add3A_637, %xor3A_631 : vector<16xi1>, vector<16xi32>
    %broadcast_in_dim3A_639 = vector.shape_cast %select_n3A_638 : vector<16xi32> to vector<16x1xi32>
    %gather3A_640 = vector.shape_cast %broadcast_in_dim3A_639 : vector<16x1xi32> to vector<16xi32>
    %gather3A_641 = tpu.dynamic_gather %add3A_628[%gather3A_640] in [0] : vector<16xf32>, vector<16xi32> -> vector<16xf32>
    %add3A_642 = arith.addf %add3A_628, %gather3A_641 : vector<16xf32>
    %mul3A_643 = arith.mulf %add3A_642, %div3A_140 : vector<16xf32>
    %select_n3A_644 = arith.select %eq3A_586, %mul3A_643, %select_n3A_560 : vector<16xi1>, vector<16xf32>
    %dma_wait3A_645 = arith.constant 0 : i32
    %dma_wait3A_646 = tpu.memref_slice %arg2[%add3A_4, %dma_wait3A_645] : memref<2048x32768xf32, #tpu.memory_space<hbm>> -> memref<1x32768xf32, #tpu.memory_space<hbm>>
    %dma_wait3A_647 = tpu.memref_squeeze %dma_wait3A_646 : memref<1x32768xf32, #tpu.memory_space<hbm>> -> memref<32768xf32, #tpu.memory_space<hbm>>
    %dma_wait3A_648 = arith.constant 0 : i32
    %dma_wait3A_649 = tpu.memref_slice %arg2[%add3A_4, %dma_wait3A_648] : memref<2048x32768xf32, #tpu.memory_space<hbm>> -> memref<1x32768xf32, #tpu.memory_space<hbm>>
    %dma_wait3A_650 = tpu.memref_squeeze %dma_wait3A_649 : memref<1x32768xf32, #tpu.memory_space<hbm>> -> memref<32768xf32, #tpu.memory_space<hbm>>
    tpu.wait_dma2 semaphore(%arg9 : memref<!tpu.dma_semaphore, #tpu.memory_space<semaphore_mem>>) src(%dma_wait3A_650 : memref<32768xf32, #tpu.memory_space<hbm>>) dst(%arg6 : memref<32768xf32, #tpu.memory_space<vmem>>)
    %add3A_651 = arith.constant 7 : i32
    %add3A_652 = arith.addi %add3A_4, %add3A_651 : i32
    %dma_start3A_653 = arith.constant 0 : i32
    %dma_start3A_654 = tpu.memref_slice %arg2[%add3A_652, %dma_start3A_653] : memref<2048x32768xf32, #tpu.memory_space<hbm>> -> memref<1x32768xf32, #tpu.memory_space<hbm>>
    %dma_start3A_655 = tpu.memref_squeeze %dma_start3A_654 : memref<1x32768xf32, #tpu.memory_space<hbm>> -> memref<32768xf32, #tpu.memory_space<hbm>>
    %dma_start3A_656 = arith.constant 0 : i32
    %dma_start3A_657 = tpu.memref_slice %arg2[%add3A_652, %dma_start3A_656] : memref<2048x32768xf32, #tpu.memory_space<hbm>> -> memref<1x32768xf32, #tpu.memory_space<hbm>>
    %dma_start3A_658 = tpu.memref_squeeze %dma_start3A_657 : memref<1x32768xf32, #tpu.memory_space<hbm>> -> memref<32768xf32, #tpu.memory_space<hbm>>
    tpu.enqueue_dma source(%dma_start3A_658 : memref<32768xf32, #tpu.memory_space<hbm>>) target(%arg7 : memref<32768xf32, #tpu.memory_space<vmem>>) target_semaphore(%arg10 : memref<!tpu.dma_semaphore, #tpu.memory_space<semaphore_mem>>)
    %scan3A_659 = arith.constant 0 : i32
    %scan3A_660 = arith.constant 256 : i32
    %scan3A_661 = arith.addi %scan3A_659, %scan3A_660 : i32
    %scan3A_662 = arith.constant 1 : i32
    %scan3A_663:4 = scf.for %scan3A_808 = %scan3A_659 to %scan3A_661 step %scan3A_662 iter_args(%scan3A_809 = %broadcast_in_dim3A_73, %scan3A_810 = %broadcast_in_dim3A_73, %scan3A_811 = %broadcast_in_dim3A_73, %scan3A_812 = %broadcast_in_dim3A_73) -> (vector<16xf32>, vector<16xf32>, vector<16xf32>, vector<16xf32>)  : i32 {
      %mul3A_813 = arith.constant 128 : i32
      %mul3A_814 = arith.muli %scan3A_808, %mul3A_813 : i32
      %add3A_815 = arith.constant 0 : i32
      %add3A_816 = arith.addi %mul3A_814, %add3A_815 : i32
      %get3A = arith.index_cast %add3A_816 : i32 to index
      %get3A_817 = tpu.vector_load %arg6[%get3A] {strides = array<i32>} : memref<32768xf32, #tpu.memory_space<vmem>>, vector<16xf32>,
      %get3A_818 = vector.shape_cast %get3A_817 : vector<16xf32> to vector<16xf32>
      %get3A_819 = arith.index_cast %add3A_816 : i32 to index
      %get3A_820 = tpu.vector_load %arg5[%get3A_819] {strides = array<i32>} : memref<32768xf32, #tpu.memory_space<vmem>>, vector<16xf32>,
      %get3A_821 = vector.shape_cast %get3A_820 : vector<16xf32> to vector<16xf32>
      %mul3A_822 = arith.mulf %get3A_818, %get3A_821 : vector<16xf32>
      %add3A_823 = arith.addf %scan3A_809, %mul3A_822 : vector<16xf32>
      %add3A_824 = arith.constant 16 : i32
      %add3A_825 = arith.addi %mul3A_814, %add3A_824 : i32
      %get3A_826 = arith.index_cast %add3A_825 : i32 to index
      %get3A_827 = tpu.vector_load %arg6[%get3A_826] {strides = array<i32>} : memref<32768xf32, #tpu.memory_space<vmem>>, vector<16xf32>,
      %get3A_828 = vector.shape_cast %get3A_827 : vector<16xf32> to vector<16xf32>
      %get3A_829 = arith.index_cast %add3A_825 : i32 to index
      %get3A_830 = tpu.vector_load %arg5[%get3A_829] {strides = array<i32>} : memref<32768xf32, #tpu.memory_space<vmem>>, vector<16xf32>,
      %get3A_831 = vector.shape_cast %get3A_830 : vector<16xf32> to vector<16xf32>
      %mul3A_832 = arith.mulf %get3A_828, %get3A_831 : vector<16xf32>
      %add3A_833 = arith.addf %scan3A_810, %mul3A_832 : vector<16xf32>
      %add3A_834 = arith.constant 32 : i32
      %add3A_835 = arith.addi %mul3A_814, %add3A_834 : i32
      %get3A_836 = arith.index_cast %add3A_835 : i32 to index
      %get3A_837 = tpu.vector_load %arg6[%get3A_836] {strides = array<i32>} : memref<32768xf32, #tpu.memory_space<vmem>>, vector<16xf32>,
      %get3A_838 = vector.shape_cast %get3A_837 : vector<16xf32> to vector<16xf32>
      %get3A_839 = arith.index_cast %add3A_835 : i32 to index
      %get3A_840 = tpu.vector_load %arg5[%get3A_839] {strides = array<i32>} : memref<32768xf32, #tpu.memory_space<vmem>>, vector<16xf32>,
      %get3A_841 = vector.shape_cast %get3A_840 : vector<16xf32> to vector<16xf32>
      %mul3A_842 = arith.mulf %get3A_838, %get3A_841 : vector<16xf32>
      %add3A_843 = arith.addf %scan3A_811, %mul3A_842 : vector<16xf32>
      %add3A_844 = arith.constant 48 : i32
      %add3A_845 = arith.addi %mul3A_814, %add3A_844 : i32
      %get3A_846 = arith.index_cast %add3A_845 : i32 to index
      %get3A_847 = tpu.vector_load %arg6[%get3A_846] {strides = array<i32>} : memref<32768xf32, #tpu.memory_space<vmem>>, vector<16xf32>,
      %get3A_848 = vector.shape_cast %get3A_847 : vector<16xf32> to vector<16xf32>
      %get3A_849 = arith.index_cast %add3A_845 : i32 to index
      %get3A_850 = tpu.vector_load %arg5[%get3A_849] {strides = array<i32>} : memref<32768xf32, #tpu.memory_space<vmem>>, vector<16xf32>,
      %get3A_851 = vector.shape_cast %get3A_850 : vector<16xf32> to vector<16xf32>
      %mul3A_852 = arith.mulf %get3A_848, %get3A_851 : vector<16xf32>
      %add3A_853 = arith.addf %scan3A_812, %mul3A_852 : vector<16xf32>
      %add3A_854 = arith.constant 64 : i32
      %add3A_855 = arith.addi %mul3A_814, %add3A_854 : i32
      %get3A_856 = arith.index_cast %add3A_855 : i32 to index
      %get3A_857 = tpu.vector_load %arg6[%get3A_856] {strides = array<i32>} : memref<32768xf32, #tpu.memory_space<vmem>>, vector<16xf32>,
      %get3A_858 = vector.shape_cast %get3A_857 : vector<16xf32> to vector<16xf32>
      %get3A_859 = arith.index_cast %add3A_855 : i32 to index
      %get3A_860 = tpu.vector_load %arg5[%get3A_859] {strides = array<i32>} : memref<32768xf32, #tpu.memory_space<vmem>>, vector<16xf32>,
      %get3A_861 = vector.shape_cast %get3A_860 : vector<16xf32> to vector<16xf32>
      %mul3A_862 = arith.mulf %get3A_858, %get3A_861 : vector<16xf32>
      %add3A_863 = arith.addf %add3A_823, %mul3A_862 : vector<16xf32>
      %add3A_864 = arith.constant 80 : i32
      %add3A_865 = arith.addi %mul3A_814, %add3A_864 : i32
      %get3A_866 = arith.index_cast %add3A_865 : i32 to index
      %get3A_867 = tpu.vector_load %arg6[%get3A_866] {strides = array<i32>} : memref<32768xf32, #tpu.memory_space<vmem>>, vector<16xf32>,
      %get3A_868 = vector.shape_cast %get3A_867 : vector<16xf32> to vector<16xf32>
      %get3A_869 = arith.index_cast %add3A_865 : i32 to index
      %get3A_870 = tpu.vector_load %arg5[%get3A_869] {strides = array<i32>} : memref<32768xf32, #tpu.memory_space<vmem>>, vector<16xf32>,
      %get3A_871 = vector.shape_cast %get3A_870 : vector<16xf32> to vector<16xf32>
      %mul3A_872 = arith.mulf %get3A_868, %get3A_871 : vector<16xf32>
      %add3A_873 = arith.addf %add3A_833, %mul3A_872 : vector<16xf32>
      %add3A_874 = arith.constant 96 : i32
      %add3A_875 = arith.addi %mul3A_814, %add3A_874 : i32
      %get3A_876 = arith.index_cast %add3A_875 : i32 to index
      %get3A_877 = tpu.vector_load %arg6[%get3A_876] {strides = array<i32>} : memref<32768xf32, #tpu.memory_space<vmem>>, vector<16xf32>,
      %get3A_878 = vector.shape_cast %get3A_877 : vector<16xf32> to vector<16xf32>
      %get3A_879 = arith.index_cast %add3A_875 : i32 to index
      %get3A_880 = tpu.vector_load %arg5[%get3A_879] {strides = array<i32>} : memref<32768xf32, #tpu.memory_space<vmem>>, vector<16xf32>,
      %get3A_881 = vector.shape_cast %get3A_880 : vector<16xf32> to vector<16xf32>
      %mul3A_882 = arith.mulf %get3A_878, %get3A_881 : vector<16xf32>
      %add3A_883 = arith.addf %add3A_843, %mul3A_882 : vector<16xf32>
      %add3A_884 = arith.constant 112 : i32
      %add3A_885 = arith.addi %mul3A_814, %add3A_884 : i32
      %get3A_886 = arith.index_cast %add3A_885 : i32 to index
      %get3A_887 = tpu.vector_load %arg6[%get3A_886] {strides = array<i32>} : memref<32768xf32, #tpu.memory_space<vmem>>, vector<16xf32>,
      %get3A_888 = vector.shape_cast %get3A_887 : vector<16xf32> to vector<16xf32>
      %get3A_889 = arith.index_cast %add3A_885 : i32 to index
      %get3A_890 = tpu.vector_load %arg5[%get3A_889] {strides = array<i32>} : memref<32768xf32, #tpu.memory_space<vmem>>, vector<16xf32>,
      %get3A_891 = vector.shape_cast %get3A_890 : vector<16xf32> to vector<16xf32>
      %mul3A_892 = arith.mulf %get3A_888, %get3A_891 : vector<16xf32>
      %add3A_893 = arith.addf %add3A_853, %mul3A_892 : vector<16xf32>
      scf.yield %add3A_863, %add3A_873, %add3A_883, %add3A_893 : vector<16xf32>, vector<16xf32>, vector<16xf32>, vector<16xf32>
    }
    %scan3A_664 = arith.constant 256 : i32
    %add3A_665 = arith.addf %scan3A_663#0, %scan3A_663#1 : vector<16xf32>
    %add3A_666 = arith.addf %scan3A_663#2, %scan3A_663#3 : vector<16xf32>
    %add3A_667 = arith.addf %add3A_665, %add3A_666 : vector<16xf32>
    %eq3A_668 = arith.constant 6 : i32
    %eq3A_669 = vector.broadcast %eq3A_668 : i32 to vector<16xi32>
    %eq3A_670 = arith.cmpi eq, %iota3A, %eq3A_669 : vector<16xi32>
    %xor3A_671 = arith.constant 1 : i32
    %xor3A_672 = vector.broadcast %xor3A_671 : i32 to vector<16xi32>
    %xor3A_673 = arith.xori %iota3A, %xor3A_672 : vector<16xi32>
    %lt3A_674 = arith.constant 0 : i32
    %lt3A_675 = vector.broadcast %lt3A_674 : i32 to vector<16xi32>
    %lt3A_676 = arith.cmpi slt, %xor3A_673, %lt3A_675 : vector<16xi32>
    %add3A_677 = arith.constant 16 : i32
    %add3A_678 = vector.broadcast %add3A_677 : i32 to vector<16xi32>
    %add3A_679 = arith.addi %xor3A_673, %add3A_678 : vector<16xi32>
    %select_n3A_680 = arith.select %lt3A_676, %add3A_679, %xor3A_673 : vector<16xi1>, vector<16xi32>
    %broadcast_in_dim3A_681 = vector.shape_cast %select_n3A_680 : vector<16xi32> to vector<16x1xi32>
    %gather3A_682 = vector.shape_cast %broadcast_in_dim3A_681 : vector<16x1xi32> to vector<16xi32>
    %gather3A_683 = tpu.dynamic_gather %add3A_667[%gather3A_682] in [0] : vector<16xf32>, vector<16xi32> -> vector<16xf32>
    %add3A_684 = arith.addf %add3A_667, %gather3A_683 : vector<16xf32>
    %xor3A_685 = arith.constant 2 : i32
    %xor3A_686 = vector.broadcast %xor3A_685 : i32 to vector<16xi32>
    %xor3A_687 = arith.xori %iota3A, %xor3A_686 : vector<16xi32>
    %lt3A_688 = arith.constant 0 : i32
    %lt3A_689 = vector.broadcast %lt3A_688 : i32 to vector<16xi32>
    %lt3A_690 = arith.cmpi slt, %xor3A_687, %lt3A_689 : vector<16xi32>
    %add3A_691 = arith.constant 16 : i32
    %add3A_692 = vector.broadcast %add3A_691 : i32 to vector<16xi32>
    %add3A_693 = arith.addi %xor3A_687, %add3A_692 : vector<16xi32>
    %select_n3A_694 = arith.select %lt3A_690, %add3A_693, %xor3A_687 : vector<16xi1>, vector<16xi32>
    %broadcast_in_dim3A_695 = vector.shape_cast %select_n3A_694 : vector<16xi32> to vector<16x1xi32>
    %gather3A_696 = vector.shape_cast %broadcast_in_dim3A_695 : vector<16x1xi32> to vector<16xi32>
    %gather3A_697 = tpu.dynamic_gather %add3A_684[%gather3A_696] in [0] : vector<16xf32>, vector<16xi32> -> vector<16xf32>
    %add3A_698 = arith.addf %add3A_684, %gather3A_697 : vector<16xf32>
    %xor3A_699 = arith.constant 4 : i32
    %xor3A_700 = vector.broadcast %xor3A_699 : i32 to vector<16xi32>
    %xor3A_701 = arith.xori %iota3A, %xor3A_700 : vector<16xi32>
    %lt3A_702 = arith.constant 0 : i32
    %lt3A_703 = vector.broadcast %lt3A_702 : i32 to vector<16xi32>
    %lt3A_704 = arith.cmpi slt, %xor3A_701, %lt3A_703 : vector<16xi32>
    %add3A_705 = arith.constant 16 : i32
    %add3A_706 = vector.broadcast %add3A_705 : i32 to vector<16xi32>
    %add3A_707 = arith.addi %xor3A_701, %add3A_706 : vector<16xi32>
    %select_n3A_708 = arith.select %lt3A_704, %add3A_707, %xor3A_701 : vector<16xi1>, vector<16xi32>
    %broadcast_in_dim3A_709 = vector.shape_cast %select_n3A_708 : vector<16xi32> to vector<16x1xi32>
    %gather3A_710 = vector.shape_cast %broadcast_in_dim3A_709 : vector<16x1xi32> to vector<16xi32>
    %gather3A_711 = tpu.dynamic_gather %add3A_698[%gather3A_710] in [0] : vector<16xf32>, vector<16xi32> -> vector<16xf32>
    %add3A_712 = arith.addf %add3A_698, %gather3A_711 : vector<16xf32>
    %xor3A_713 = arith.constant 8 : i32
    %xor3A_714 = vector.broadcast %xor3A_713 : i32 to vector<16xi32>
    %xor3A_715 = arith.xori %iota3A, %xor3A_714 : vector<16xi32>
    %lt3A_716 = arith.constant 0 : i32
    %lt3A_717 = vector.broadcast %lt3A_716 : i32 to vector<16xi32>
    %lt3A_718 = arith.cmpi slt, %xor3A_715, %lt3A_717 : vector<16xi32>
    %add3A_719 = arith.constant 16 : i32
    %add3A_720 = vector.broadcast %add3A_719 : i32 to vector<16xi32>
    %add3A_721 = arith.addi %xor3A_715, %add3A_720 : vector<16xi32>
    %select_n3A_722 = arith.select %lt3A_718, %add3A_721, %xor3A_715 : vector<16xi1>, vector<16xi32>
    %broadcast_in_dim3A_723 = vector.shape_cast %select_n3A_722 : vector<16xi32> to vector<16x1xi32>
    %gather3A_724 = vector.shape_cast %broadcast_in_dim3A_723 : vector<16x1xi32> to vector<16xi32>
    %gather3A_725 = tpu.dynamic_gather %add3A_712[%gather3A_724] in [0] : vector<16xf32>, vector<16xi32> -> vector<16xf32>
    %add3A_726 = arith.addf %add3A_712, %gather3A_725 : vector<16xf32>
    %mul3A_727 = arith.mulf %add3A_726, %div3A_140 : vector<16xf32>
    %select_n3A_728 = arith.select %eq3A_670, %mul3A_727, %select_n3A_644 : vector<16xi1>, vector<16xf32>
    %dma_wait3A_729 = arith.constant 0 : i32
    %dma_wait3A_730 = tpu.memref_slice %arg2[%add3A_4, %dma_wait3A_729] : memref<2048x32768xf32, #tpu.memory_space<hbm>> -> memref<1x32768xf32, #tpu.memory_space<hbm>>
    %dma_wait3A_731 = tpu.memref_squeeze %dma_wait3A_730 : memref<1x32768xf32, #tpu.memory_space<hbm>> -> memref<32768xf32, #tpu.memory_space<hbm>>
    %dma_wait3A_732 = arith.constant 0 : i32
    %dma_wait3A_733 = tpu.memref_slice %arg2[%add3A_4, %dma_wait3A_732] : memref<2048x32768xf32, #tpu.memory_space<hbm>> -> memref<1x32768xf32, #tpu.memory_space<hbm>>
    %dma_wait3A_734 = tpu.memref_squeeze %dma_wait3A_733 : memref<1x32768xf32, #tpu.memory_space<hbm>> -> memref<32768xf32, #tpu.memory_space<hbm>>
    tpu.wait_dma2 semaphore(%arg10 : memref<!tpu.dma_semaphore, #tpu.memory_space<semaphore_mem>>) src(%dma_wait3A_734 : memref<32768xf32, #tpu.memory_space<hbm>>) dst(%arg7 : memref<32768xf32, #tpu.memory_space<vmem>>)
    %scan3A_735 = arith.constant 0 : i32
    %scan3A_736 = arith.constant 256 : i32
    %scan3A_737 = arith.addi %scan3A_735, %scan3A_736 : i32
    %scan3A_738 = arith.constant 1 : i32
    %scan3A_739:4 = scf.for %scan3A_808 = %scan3A_735 to %scan3A_737 step %scan3A_738 iter_args(%scan3A_809 = %broadcast_in_dim3A_73, %scan3A_810 = %broadcast_in_dim3A_73, %scan3A_811 = %broadcast_in_dim3A_73, %scan3A_812 = %broadcast_in_dim3A_73) -> (vector<16xf32>, vector<16xf32>, vector<16xf32>, vector<16xf32>)  : i32 {
      %mul3A_813 = arith.constant 128 : i32
      %mul3A_814 = arith.muli %scan3A_808, %mul3A_813 : i32
      %add3A_815 = arith.constant 0 : i32
      %add3A_816 = arith.addi %mul3A_814, %add3A_815 : i32
      %get3A = arith.index_cast %add3A_816 : i32 to index
      %get3A_817 = tpu.vector_load %arg7[%get3A] {strides = array<i32>} : memref<32768xf32, #tpu.memory_space<vmem>>, vector<16xf32>,
      %get3A_818 = vector.shape_cast %get3A_817 : vector<16xf32> to vector<16xf32>
      %get3A_819 = arith.index_cast %add3A_816 : i32 to index
      %get3A_820 = tpu.vector_load %arg5[%get3A_819] {strides = array<i32>} : memref<32768xf32, #tpu.memory_space<vmem>>, vector<16xf32>,
      %get3A_821 = vector.shape_cast %get3A_820 : vector<16xf32> to vector<16xf32>
      %mul3A_822 = arith.mulf %get3A_818, %get3A_821 : vector<16xf32>
      %add3A_823 = arith.addf %scan3A_809, %mul3A_822 : vector<16xf32>
      %add3A_824 = arith.constant 16 : i32
      %add3A_825 = arith.addi %mul3A_814, %add3A_824 : i32
      %get3A_826 = arith.index_cast %add3A_825 : i32 to index
      %get3A_827 = tpu.vector_load %arg7[%get3A_826] {strides = array<i32>} : memref<32768xf32, #tpu.memory_space<vmem>>, vector<16xf32>,
      %get3A_828 = vector.shape_cast %get3A_827 : vector<16xf32> to vector<16xf32>
      %get3A_829 = arith.index_cast %add3A_825 : i32 to index
      %get3A_830 = tpu.vector_load %arg5[%get3A_829] {strides = array<i32>} : memref<32768xf32, #tpu.memory_space<vmem>>, vector<16xf32>,
      %get3A_831 = vector.shape_cast %get3A_830 : vector<16xf32> to vector<16xf32>
      %mul3A_832 = arith.mulf %get3A_828, %get3A_831 : vector<16xf32>
      %add3A_833 = arith.addf %scan3A_810, %mul3A_832 : vector<16xf32>
      %add3A_834 = arith.constant 32 : i32
      %add3A_835 = arith.addi %mul3A_814, %add3A_834 : i32
      %get3A_836 = arith.index_cast %add3A_835 : i32 to index
      %get3A_837 = tpu.vector_load %arg7[%get3A_836] {strides = array<i32>} : memref<32768xf32, #tpu.memory_space<vmem>>, vector<16xf32>,
      %get3A_838 = vector.shape_cast %get3A_837 : vector<16xf32> to vector<16xf32>
      %get3A_839 = arith.index_cast %add3A_835 : i32 to index
      %get3A_840 = tpu.vector_load %arg5[%get3A_839] {strides = array<i32>} : memref<32768xf32, #tpu.memory_space<vmem>>, vector<16xf32>,
      %get3A_841 = vector.shape_cast %get3A_840 : vector<16xf32> to vector<16xf32>
      %mul3A_842 = arith.mulf %get3A_838, %get3A_841 : vector<16xf32>
      %add3A_843 = arith.addf %scan3A_811, %mul3A_842 : vector<16xf32>
      %add3A_844 = arith.constant 48 : i32
      %add3A_845 = arith.addi %mul3A_814, %add3A_844 : i32
      %get3A_846 = arith.index_cast %add3A_845 : i32 to index
      %get3A_847 = tpu.vector_load %arg7[%get3A_846] {strides = array<i32>} : memref<32768xf32, #tpu.memory_space<vmem>>, vector<16xf32>,
      %get3A_848 = vector.shape_cast %get3A_847 : vector<16xf32> to vector<16xf32>
      %get3A_849 = arith.index_cast %add3A_845 : i32 to index
      %get3A_850 = tpu.vector_load %arg5[%get3A_849] {strides = array<i32>} : memref<32768xf32, #tpu.memory_space<vmem>>, vector<16xf32>,
      %get3A_851 = vector.shape_cast %get3A_850 : vector<16xf32> to vector<16xf32>
      %mul3A_852 = arith.mulf %get3A_848, %get3A_851 : vector<16xf32>
      %add3A_853 = arith.addf %scan3A_812, %mul3A_852 : vector<16xf32>
      %add3A_854 = arith.constant 64 : i32
      %add3A_855 = arith.addi %mul3A_814, %add3A_854 : i32
      %get3A_856 = arith.index_cast %add3A_855 : i32 to index
      %get3A_857 = tpu.vector_load %arg7[%get3A_856] {strides = array<i32>} : memref<32768xf32, #tpu.memory_space<vmem>>, vector<16xf32>,
      %get3A_858 = vector.shape_cast %get3A_857 : vector<16xf32> to vector<16xf32>
      %get3A_859 = arith.index_cast %add3A_855 : i32 to index
      %get3A_860 = tpu.vector_load %arg5[%get3A_859] {strides = array<i32>} : memref<32768xf32, #tpu.memory_space<vmem>>, vector<16xf32>,
      %get3A_861 = vector.shape_cast %get3A_860 : vector<16xf32> to vector<16xf32>
      %mul3A_862 = arith.mulf %get3A_858, %get3A_861 : vector<16xf32>
      %add3A_863 = arith.addf %add3A_823, %mul3A_862 : vector<16xf32>
      %add3A_864 = arith.constant 80 : i32
      %add3A_865 = arith.addi %mul3A_814, %add3A_864 : i32
      %get3A_866 = arith.index_cast %add3A_865 : i32 to index
      %get3A_867 = tpu.vector_load %arg7[%get3A_866] {strides = array<i32>} : memref<32768xf32, #tpu.memory_space<vmem>>, vector<16xf32>,
      %get3A_868 = vector.shape_cast %get3A_867 : vector<16xf32> to vector<16xf32>
      %get3A_869 = arith.index_cast %add3A_865 : i32 to index
      %get3A_870 = tpu.vector_load %arg5[%get3A_869] {strides = array<i32>} : memref<32768xf32, #tpu.memory_space<vmem>>, vector<16xf32>,
      %get3A_871 = vector.shape_cast %get3A_870 : vector<16xf32> to vector<16xf32>
      %mul3A_872 = arith.mulf %get3A_868, %get3A_871 : vector<16xf32>
      %add3A_873 = arith.addf %add3A_833, %mul3A_872 : vector<16xf32>
      %add3A_874 = arith.constant 96 : i32
      %add3A_875 = arith.addi %mul3A_814, %add3A_874 : i32
      %get3A_876 = arith.index_cast %add3A_875 : i32 to index
      %get3A_877 = tpu.vector_load %arg7[%get3A_876] {strides = array<i32>} : memref<32768xf32, #tpu.memory_space<vmem>>, vector<16xf32>,
      %get3A_878 = vector.shape_cast %get3A_877 : vector<16xf32> to vector<16xf32>
      %get3A_879 = arith.index_cast %add3A_875 : i32 to index
      %get3A_880 = tpu.vector_load %arg5[%get3A_879] {strides = array<i32>} : memref<32768xf32, #tpu.memory_space<vmem>>, vector<16xf32>,
      %get3A_881 = vector.shape_cast %get3A_880 : vector<16xf32> to vector<16xf32>
      %mul3A_882 = arith.mulf %get3A_878, %get3A_881 : vector<16xf32>
      %add3A_883 = arith.addf %add3A_843, %mul3A_882 : vector<16xf32>
      %add3A_884 = arith.constant 112 : i32
      %add3A_885 = arith.addi %mul3A_814, %add3A_884 : i32
      %get3A_886 = arith.index_cast %add3A_885 : i32 to index
      %get3A_887 = tpu.vector_load %arg7[%get3A_886] {strides = array<i32>} : memref<32768xf32, #tpu.memory_space<vmem>>, vector<16xf32>,
      %get3A_888 = vector.shape_cast %get3A_887 : vector<16xf32> to vector<16xf32>
      %get3A_889 = arith.index_cast %add3A_885 : i32 to index
      %get3A_890 = tpu.vector_load %arg5[%get3A_889] {strides = array<i32>} : memref<32768xf32, #tpu.memory_space<vmem>>, vector<16xf32>,
      %get3A_891 = vector.shape_cast %get3A_890 : vector<16xf32> to vector<16xf32>
      %mul3A_892 = arith.mulf %get3A_888, %get3A_891 : vector<16xf32>
      %add3A_893 = arith.addf %add3A_853, %mul3A_892 : vector<16xf32>
      scf.yield %add3A_863, %add3A_873, %add3A_883, %add3A_893 : vector<16xf32>, vector<16xf32>, vector<16xf32>, vector<16xf32>
    }
    %scan3A_740 = arith.constant 256 : i32
    %add3A_741 = arith.addf %scan3A_739#0, %scan3A_739#1 : vector<16xf32>
    %add3A_742 = arith.addf %scan3A_739#2, %scan3A_739#3 : vector<16xf32>
    %add3A_743 = arith.addf %add3A_741, %add3A_742 : vector<16xf32>
    %eq3A_744 = arith.constant 7 : i32
    %eq3A_745 = vector.broadcast %eq3A_744 : i32 to vector<16xi32>
    %eq3A_746 = arith.cmpi eq, %iota3A, %eq3A_745 : vector<16xi32>
    %xor3A_747 = arith.constant 1 : i32
    %xor3A_748 = vector.broadcast %xor3A_747 : i32 to vector<16xi32>
    %xor3A_749 = arith.xori %iota3A, %xor3A_748 : vector<16xi32>
    %lt3A_750 = arith.constant 0 : i32
    %lt3A_751 = vector.broadcast %lt3A_750 : i32 to vector<16xi32>
    %lt3A_752 = arith.cmpi slt, %xor3A_749, %lt3A_751 : vector<16xi32>
    %add3A_753 = arith.constant 16 : i32
    %add3A_754 = vector.broadcast %add3A_753 : i32 to vector<16xi32>
    %add3A_755 = arith.addi %xor3A_749, %add3A_754 : vector<16xi32>
    %select_n3A_756 = arith.select %lt3A_752, %add3A_755, %xor3A_749 : vector<16xi1>, vector<16xi32>
    %broadcast_in_dim3A_757 = vector.shape_cast %select_n3A_756 : vector<16xi32> to vector<16x1xi32>
    %gather3A_758 = vector.shape_cast %broadcast_in_dim3A_757 : vector<16x1xi32> to vector<16xi32>
    %gather3A_759 = tpu.dynamic_gather %add3A_743[%gather3A_758] in [0] : vector<16xf32>, vector<16xi32> -> vector<16xf32>
    %add3A_760 = arith.addf %add3A_743, %gather3A_759 : vector<16xf32>
    %xor3A_761 = arith.constant 2 : i32
    %xor3A_762 = vector.broadcast %xor3A_761 : i32 to vector<16xi32>
    %xor3A_763 = arith.xori %iota3A, %xor3A_762 : vector<16xi32>
    %lt3A_764 = arith.constant 0 : i32
    %lt3A_765 = vector.broadcast %lt3A_764 : i32 to vector<16xi32>
    %lt3A_766 = arith.cmpi slt, %xor3A_763, %lt3A_765 : vector<16xi32>
    %add3A_767 = arith.constant 16 : i32
    %add3A_768 = vector.broadcast %add3A_767 : i32 to vector<16xi32>
    %add3A_769 = arith.addi %xor3A_763, %add3A_768 : vector<16xi32>
    %select_n3A_770 = arith.select %lt3A_766, %add3A_769, %xor3A_763 : vector<16xi1>, vector<16xi32>
    %broadcast_in_dim3A_771 = vector.shape_cast %select_n3A_770 : vector<16xi32> to vector<16x1xi32>
    %gather3A_772 = vector.shape_cast %broadcast_in_dim3A_771 : vector<16x1xi32> to vector<16xi32>
    %gather3A_773 = tpu.dynamic_gather %add3A_760[%gather3A_772] in [0] : vector<16xf32>, vector<16xi32> -> vector<16xf32>
    %add3A_774 = arith.addf %add3A_760, %gather3A_773 : vector<16xf32>
    %xor3A_775 = arith.constant 4 : i32
    %xor3A_776 = vector.broadcast %xor3A_775 : i32 to vector<16xi32>
    %xor3A_777 = arith.xori %iota3A, %xor3A_776 : vector<16xi32>
    %lt3A_778 = arith.constant 0 : i32
    %lt3A_779 = vector.broadcast %lt3A_778 : i32 to vector<16xi32>
    %lt3A_780 = arith.cmpi slt, %xor3A_777, %lt3A_779 : vector<16xi32>
    %add3A_781 = arith.constant 16 : i32
    %add3A_782 = vector.broadcast %add3A_781 : i32 to vector<16xi32>
    %add3A_783 = arith.addi %xor3A_777, %add3A_782 : vector<16xi32>
    %select_n3A_784 = arith.select %lt3A_780, %add3A_783, %xor3A_777 : vector<16xi1>, vector<16xi32>
    %broadcast_in_dim3A_785 = vector.shape_cast %select_n3A_784 : vector<16xi32> to vector<16x1xi32>
    %gather3A_786 = vector.shape_cast %broadcast_in_dim3A_785 : vector<16x1xi32> to vector<16xi32>
    %gather3A_787 = tpu.dynamic_gather %add3A_774[%gather3A_786] in [0] : vector<16xf32>, vector<16xi32> -> vector<16xf32>
    %add3A_788 = arith.addf %add3A_774, %gather3A_787 : vector<16xf32>
    %xor3A_789 = arith.constant 8 : i32
    %xor3A_790 = vector.broadcast %xor3A_789 : i32 to vector<16xi32>
    %xor3A_791 = arith.xori %iota3A, %xor3A_790 : vector<16xi32>
    %lt3A_792 = arith.constant 0 : i32
    %lt3A_793 = vector.broadcast %lt3A_792 : i32 to vector<16xi32>
    %lt3A_794 = arith.cmpi slt, %xor3A_791, %lt3A_793 : vector<16xi32>
    %add3A_795 = arith.constant 16 : i32
    %add3A_796 = vector.broadcast %add3A_795 : i32 to vector<16xi32>
    %add3A_797 = arith.addi %xor3A_791, %add3A_796 : vector<16xi32>
    %select_n3A_798 = arith.select %lt3A_794, %add3A_797, %xor3A_791 : vector<16xi1>, vector<16xi32>
    %broadcast_in_dim3A_799 = vector.shape_cast %select_n3A_798 : vector<16xi32> to vector<16x1xi32>
    %gather3A_800 = vector.shape_cast %broadcast_in_dim3A_799 : vector<16x1xi32> to vector<16xi32>
    %gather3A_801 = tpu.dynamic_gather %add3A_788[%gather3A_800] in [0] : vector<16xf32>, vector<16xi32> -> vector<16xf32>
    %add3A_802 = arith.addf %add3A_788, %gather3A_801 : vector<16xf32>
    %mul3A_803 = arith.mulf %add3A_802, %div3A_140 : vector<16xf32>
    %select_n3A_804 = arith.select %eq3A_746, %mul3A_803, %select_n3A_728 : vector<16xi1>, vector<16xf32>
    %swap3A = arith.constant 0 : index
    %swap3A_805 = tpu.vector_load %arg8[%swap3A] {strides = array<i32>} : memref<16xf32, #tpu.memory_space<vmem>>, vector<16xf32>,
    %swap3A_806 = vector.shape_cast %swap3A_805 : vector<16xf32> to vector<16xf32>
    %swap3A_807 = vector.shape_cast %select_n3A_804 : vector<16xf32> to vector<16xf32>
    tpu.vector_store %arg8[%swap3A], %swap3A_807 {strides = array<i32>} : memref<16xf32, #tpu.memory_space<vmem>>, vector<16xf32>,
    "tpu.region"() ({
      %run_scoped3A = tpu.sem_alloc : memref<!tpu.dma_semaphore, #tpu.memory_space<semaphore_mem>>
      %dma_start3A_808 = arith.constant 0 : i32
      %dma_start3A_809 = tpu.memref_slice %arg4[%add3A, %dma_start3A_808] : memref<32x16xf32, #tpu.memory_space<hbm>> -> memref<1x16xf32, #tpu.memory_space<hbm>>
      %dma_start3A_810 = tpu.memref_squeeze %dma_start3A_809 : memref<1x16xf32, #tpu.memory_space<hbm>> -> memref<16xf32, #tpu.memory_space<hbm>>
      %dma_start3A_811 = arith.constant 0 : i32
      %dma_start3A_812 = tpu.memref_slice %arg4[%add3A, %dma_start3A_811] : memref<32x16xf32, #tpu.memory_space<hbm>> -> memref<1x16xf32, #tpu.memory_space<hbm>>
      %dma_start3A_813 = tpu.memref_squeeze %dma_start3A_812 : memref<1x16xf32, #tpu.memory_space<hbm>> -> memref<16xf32, #tpu.memory_space<hbm>>
      tpu.enqueue_dma source(%arg8 : memref<16xf32, #tpu.memory_space<vmem>>) target(%dma_start3A_813 : memref<16xf32, #tpu.memory_space<hbm>>) target_semaphore(%run_scoped3A : memref<!tpu.dma_semaphore, #tpu.memory_space<semaphore_mem>>)
      %dma_wait3A_814 = arith.constant 0 : i32
      %dma_wait3A_815 = tpu.memref_slice %arg4[%add3A, %dma_wait3A_814] : memref<32x16xf32, #tpu.memory_space<hbm>> -> memref<1x16xf32, #tpu.memory_space<hbm>>
      %dma_wait3A_816 = tpu.memref_squeeze %dma_wait3A_815 : memref<1x16xf32, #tpu.memory_space<hbm>> -> memref<16xf32, #tpu.memory_space<hbm>>
      %dma_wait3A_817 = arith.constant 0 : i32
      %dma_wait3A_818 = tpu.memref_slice %arg4[%add3A, %dma_wait3A_817] : memref<32x16xf32, #tpu.memory_space<hbm>> -> memref<1x16xf32, #tpu.memory_space<hbm>>
      %dma_wait3A_819 = tpu.memref_squeeze %dma_wait3A_818 : memref<1x16xf32, #tpu.memory_space<hbm>> -> memref<16xf32, #tpu.memory_space<hbm>>
      tpu.wait_dma2 semaphore(%run_scoped3A : memref<!tpu.dma_semaphore, #tpu.memory_space<semaphore_mem>>) src(%arg8 : memref<16xf32, #tpu.memory_space<vmem>>) dst(%dma_wait3A_819 : memref<16xf32, #tpu.memory_space<hbm>>)
      tpu.yield
    }) : () -> ()
    return
  }
}

module attributes {stable_mosaic.version = 14 : i64} {
  func.func @_tc_body(%arg0: i32, %arg1: memref<1x32768xf32, #tpu.memory_space<vmem>>, %arg2: memref<64x32768xf32, #tpu.memory_space<vmem>>, %arg3: memref<64x1xf32, #tpu.memory_space<vmem>>, %arg4: memref<1x32768xf32, #tpu.memory_space<vmem>>) attributes {dimension_semantics = [#tpu.dimension_semantics<arbitrary>], iteration_bounds = array<i64: 28>, scalar_prefetch = 0 : i64, scratch_operands = 1 : i64, tpu.core_type = #tpu.core_type<tc>, window_params = [{pipeline_mode = #tpu.pipeline_mode<synchronous>, transform_indices = @transform_0, window_bounds = array<i64: 1, 32768>}, {transform_indices = @transform_1, window_bounds = array<i64: 64, 32768>}, {transform_indices = @transform_2, window_bounds = array<i64: 64, 1>}]} {
    %eq3A = arith.constant 0 : i32
    %eq3A_0 = arith.cmpi eq, %arg0, %eq3A : i32
    %convert_element_type3A = arith.extui %eq3A_0 : i1 to i32
    %cond3A = arith.constant 0 : i32
    %cond3A_1 = arith.cmpi ne, %convert_element_type3A, %cond3A : i32
    scf.if %cond3A_1 {
      %get3A_11 = arith.constant 0 : index
      %get3A_12 = arith.constant 0 : index
      %get3A_13 = vector.load %arg1[%get3A_11, %get3A_12] : memref<1x32768xf32, #tpu.memory_space<vmem>>, vector<1x32768xf32>
      %reduce_max3A = vector.shape_cast %get3A_13 : vector<1x32768xf32> to vector<1x1x32768xf32>
      %reduce_max3A_14 = arith.constant dense<0xFF800000> : vector<1xf32>
      %reduce_max3A_15 = vector.multi_reduction <maximumf>, %reduce_max3A, %reduce_max3A_14 [1, 2] : vector<1x1x32768xf32> to vector<1xf32>
      %reduce_max3A_16 = vector.shape_cast %reduce_max3A_15 : vector<1xf32> to vector<1x1x1xf32>
      %reduce_max3A_17 = vector.extract %reduce_max3A_16[0, 0, 0] : f32 from vector<1x1x1xf32>
      %sub3A = vector.broadcast %reduce_max3A_17 : f32 to vector<1x32768xf32>
      %sub3A_18 = arith.subf %get3A_13, %sub3A : vector<1x32768xf32>
      %exp3A = math.exp %sub3A_18 : vector<1x32768xf32>
      %reduce_sum3A_19 = vector.shape_cast %exp3A : vector<1x32768xf32> to vector<1x1x32768xf32>
      %reduce_sum3A_20 = arith.constant dense<0.000000e+00> : vector<1xf32>
      %reduce_sum3A_21 = vector.multi_reduction <add>, %reduce_sum3A_19, %reduce_sum3A_20 [1, 2] : vector<1x1x32768xf32> to vector<1xf32>
      %reduce_sum3A_22 = vector.shape_cast %reduce_sum3A_21 : vector<1xf32> to vector<1x1x1xf32>
      %reduce_sum3A_23 = vector.extract %reduce_sum3A_22[0, 0, 0] : f32 from vector<1x1x1xf32>
      %div3A = vector.broadcast %reduce_sum3A_23 : f32 to vector<1x32768xf32>
      %div3A_24 = arith.divf %exp3A, %div3A : vector<1x32768xf32>
      %swap3A_25 = arith.constant 0 : index
      %swap3A_26 = arith.constant 0 : index
      %swap3A_27 = vector.load %arg4[%swap3A_25, %swap3A_26] : memref<1x32768xf32, #tpu.memory_space<vmem>>, vector<1x32768xf32>
      tpu.vector_store %arg4[%swap3A_25, %swap3A_26], %div3A_24 {strides = array<i32>} : memref<1x32768xf32, #tpu.memory_space<vmem>>, vector<1x32768xf32>,
    } else {
    }
    %get3A = arith.constant 0 : index
    %get3A_2 = arith.constant 0 : index
    %get3A_3 = vector.load %arg2[%get3A, %get3A_2] : memref<64x32768xf32, #tpu.memory_space<vmem>>, vector<64x32768xf32>
    %get3A_4 = arith.constant 0 : index
    %get3A_5 = arith.constant 0 : index
    %get3A_6 = vector.load %arg4[%get3A_4, %get3A_5] : memref<1x32768xf32, #tpu.memory_space<vmem>>, vector<1x32768xf32>
    %mul3A = vector.broadcast %get3A_6 : vector<1x32768xf32> to vector<64x32768xf32>
    %mul3A_7 = arith.mulf %get3A_3, %mul3A : vector<64x32768xf32>
    %reduce_sum3A = arith.constant dense<0.000000e+00> : vector<64xf32>
    %reduce_sum3A_8 = vector.multi_reduction <add>, %mul3A_7, %reduce_sum3A [1] : vector<64x32768xf32> to vector<64xf32>
    %broadcast_in_dim3A = vector.shape_cast %reduce_sum3A_8 : vector<64xf32> to vector<64x1xf32>
    %swap3A = arith.constant 0 : index
    %swap3A_9 = arith.constant 0 : index
    %swap3A_10 = vector.load %arg3[%swap3A, %swap3A_9] : memref<64x1xf32, #tpu.memory_space<vmem>>, vector<64x1xf32>
    tpu.vector_store %arg3[%swap3A, %swap3A_9], %broadcast_in_dim3A {strides = array<i32>} : memref<64x1xf32, #tpu.memory_space<vmem>>, vector<64x1xf32>,
    return
  }
  func.func @transform_0(%arg0: i32) -> (i32, i32) {
    %c0_i32 = arith.constant 0 : i32
    %c0_i32_0 = arith.constant 0 : i32
    %c0_i32_1 = arith.constant 0 : i32
    return %c0_i32, %c0_i32_0 : i32, i32
  }
  func.func @transform_1(%arg0: i32) -> (i32, i32) {
    %c0_i32 = arith.constant 0 : i32
    %c0_i32_0 = arith.constant 0 : i32
    return %arg0, %c0_i32 : i32, i32
  }
  func.func @transform_2(%arg0: i32) -> (i32, i32) {
    %c0_i32 = arith.constant 0 : i32
    %c0_i32_0 = arith.constant 0 : i32
    return %arg0, %c0_i32 : i32, i32
  }
}

</mosaic_0001>

<sc_bundles>
// kernel: kernel.4.cloned.1.call-start
scs
__scs_entry_jumppad:
0x0: {  	(pc) =	sbr.rel $0x88, $3  }
0x1: {  	(tag) =	ssettag $0x0;
	lr =	simm.s32 $0x1  }
0x2: {  	[smem:$0x3F9F] =	sst lr;
	_ =	strace $0xD0000000  }
0x3: {  	_ = 	snop  }
0x4: {  	_ = 	snop  }
0x5: {  	_ = 	snop  }
0x6: {  	_ = 	snop  }
0x7: {  	_ = 	snop  }
__scs_overlays_trampoline_lowered:
0x8: {  	[smem:$0x3FAE] =	sst s0  }
0x9: {  	[smem:$0x3FAF] =	sst s1  }
0xa: {  	[smem:$0x3FB0] =	sst s2  }
0xb: {  	[smem:$0x3FB1] =	sst s3  }
0xc: {  	[smem:$0x3FB2] =	sst s4  }
0xd: {  	[smem:$0x3FB3] =	sst s5  }
0xe: {  	[smem:$0x3FB4] =	sst s6  }
0xf: {  	[smem:$0x3FB5] =	sst s7  }
0x10: {  	[smem:$0x3FB6] =	sst s8  }
0x11: {  	[smem:$0x3FB7] =	sst s9;
	s0 =	simm.s32 @!p0 $0x0  }
0x12: {  	s1 =	sld [smem:$0x3F9D];
	s0 =	simm.s32 @p0 $0x1  }
0x13: {  	[smem:$0x3FB8] =	sst s0;
	s0 =	simm.s32 @!p1 $0x0  }
0x14: {  	s2 =	sld [smem:$0x3F9C];
	s0 =	simm.s32 @p1 $0x1  }
0x15: {  	[smem:$0x3FB9] =	sst s0;
	s0 =	simm.s32 @!p2 $0x0  }
0x16: {  	s3 =	sld [smem:$0x3FDB];
	s0 =	simm.s32 @p2 $0x1  }
0x17: {  	s4 =	simm.s32 $0x1BF5;
	[smem:$0x3FBB] =	sst s0  }
0x18: {  	s0 =	sld [smem:$0x3F9E];
	_ =	swait.ge [sflag:s4], $0x0  }
0x19: {  	s7 =	sld [smem:$0x3F9F]  }
0x1a: {  	s8 =	sadd.s32 $0xFFFFE003, lr  }
0x1b: {  	s9 =	sadd.s32 $0xFFFFFEF7, lr;
	s5 =	simm.s32 $0xFFFFFFFF;
	p2 =	slt.u32 s8, $0xFFFFF086  }
0x1c: {  	p1 =	slt.u32 s9, $0xF7A;
	s5 =	simm.s32 @!p2 $0x0  }
0x1d: {  	s5 =	simm.s32 @p1 $0x1;
	p0 =	seq.s32 s7, s2  }
0x1e: {  	s7 =	smul.u32 @!p0 $0xF7A, s2;
	p2 =	seq.s32 @!p0 s5, $0x0  }
0x1f: {  	s9 =	smul.u32 $0xF7A, s1;
	s8 =	simm.s32 @!p0 $0x1BF5;
	p2 =	por !p2, p0  }
0x20: {  	[sflag:s8] =	ssyncset.s32 @!p0 $0xFFFFF086;
	s6 =	sadd.s32 @!p0 s3, s7;
	s7 =	simm.s32 @!p0 $0x108  }
0x21: {  	s3 =	sadd.s32 s3, s9;
	s6 =	sadd.s32 @!p0 $0x88, s6;
	s7 =	simm.s32 @p2 $0x1082  }
0x22: {  	[simem:s7], [sflag:s8] =	dma.local @!p0 [hbm:s6], $0xF7A  }
0x23: {  	s9 =	sor.u32 $0xD0000000, s2;
	s6 =	simm.s32 $0x108;
	_ =	swait.ge @!p0 [sflag:s8], $0x0  }
0x24: {  	s3 =	sadd.s32 $0x88, s3;
	s6 =	simm.s32 @!p1 $0x1082;
	[sflag:s4] =	ssyncset.s32 $0xFFFFF086  }
0x25: {  	[simem:s6], [sflag:s4] =	dma.local [hbm:s3], $0xF7A  }
0x26: {  	[smem:$0x3F9F] =	sst s1;
	(tag) =	ssettag s2;
	_ =	strace s9  }
0x27: {  	s1 =	sld [smem:$0x3FAF]  }
0x28: {  	s2 =	sld [smem:$0x3FB0]  }
0x29: {  	s4 =	sld [smem:$0x3FB2]  }
0x2a: {  	p0 =	seq.s32 s5, $0x0;
	s5 =	sld [smem:$0x3FB3]  }
0x2b: {  	s6 =	sld [smem:$0x3FB4]  }
0x2c: {  	s7 =	sld [smem:$0x3FB5]  }
0x2d: {  	s3 =	simm.s32 $0x108;
	s8 =	sld [smem:$0x3FB6]  }
0x2e: {  	s3 =	simm.s32 @!p0 $0x1082;
	s9 =	sld [smem:$0x3FB7]  }
0x2f: {  	lr =	sadd.s32 s0, s3;
	s0 =	sld [smem:$0x3FAE]  }
0x30: {  	s3 =	sld [smem:$0x3FB1]  }
0x31: {  	[smem:$0x3FBA] =	sst s10  }
0x32: {  	s10 =	sld [smem:$0x3FB8];
	_ =	sdelay $0x3  }
0x33: {  	p0 =	seq.s32 s10, $0x1;
	s10 =	sld [smem:$0x3FBA];
	_ =	sdelay $0x3  }
0x34: {  	[smem:$0x3FBA] =	sst s10  }
0x35: {  	s10 =	sld [smem:$0x3FB9];
	_ =	sdelay $0x3  }
0x36: {  	p1 =	seq.s32 s10, $0x1;
	s10 =	sld [smem:$0x3FBA];
	_ =	sdelay $0x3  }
0x37: {  	[smem:$0x3FBA] =	sst s10  }
0x38: {  	s10 =	sld [smem:$0x3FBB]  }
0x39: {  	_ = 	snop;
	(pc) =	sbr.ind lr, $3  }
0x3a: {  	_ = 	snop  }
0x3b: {  	_ = 	snop  }
0x3c: {  	p2 =	seq.s32 s10, $0x1;
	s10 =	sld [smem:$0x3FBA]  }
0x3d: {  	_ =	shalt  }
0x3e: {  	_ =	shalt  }
0x3f: {  	_ =	shalt  }
0x40: {  	_ =	shalt  }
0x41: {  	_ =	shalt  }
0x42: {  	_ =	shalt  }
0x43: {  	_ =	shalt  }
0x44: {  	_ =	shalt  }
0x45: {  	_ =	shalt  }
0x46: {  	_ =	shalt  }
0x47: {  	_ =	shalt  }
0x48: {  	_ =	shalt  }
0x49: {  	_ =	shalt  }
0x4a: {  	_ =	shalt  }
0x4b: {  	_ =	shalt  }
0x4c: {  	_ =	shalt  }
0x4d: {  	_ =	shalt  }
0x4e: {  	_ =	shalt  }
0x4f: {  	_ =	shalt  }
0x50: {  	_ =	shalt  }
0x51: {  	_ =	shalt  }
0x52: {  	_ =	shalt  }
0x53: {  	_ =	shalt  }
0x54: {  	_ =	shalt  }
0x55: {  	_ =	shalt  }
0x56: {  	_ =	shalt  }
0x57: {  	_ =	shalt  }
0x58: {  	_ =	shalt  }
0x59: {  	_ =	shalt  }
0x5a: {  	_ =	shalt  }
0x5b: {  	_ =	shalt  }
0x5c: {  	_ =	shalt  }
0x5d: {  	_ =	shalt  }
0x5e: {  	_ =	shalt  }
0x5f: {  	_ =	shalt  }
0x60: {  	_ =	shalt  }
0x61: {  	_ =	shalt  }
0x62: {  	_ =	shalt  }
0x63: {  	_ =	shalt  }
0x64: {  	_ =	shalt  }
0x65: {  	_ =	shalt  }
0x66: {  	_ =	shalt  }
0x67: {  	_ =	shalt  }
0x68: {  	_ =	shalt  }
0x69: {  	_ =	shalt  }
0x6a: {  	_ =	shalt  }
0x6b: {  	_ =	shalt  }
0x6c: {  	_ =	shalt  }
0x6d: {  	_ =	shalt  }
0x6e: {  	_ =	shalt  }
0x6f: {  	_ =	shalt  }
0x70: {  	_ =	shalt  }
0x71: {  	_ =	shalt  }
0x72: {  	_ =	shalt  }
0x73: {  	_ =	shalt  }
0x74: {  	_ =	shalt  }
0x75: {  	_ =	shalt  }
0x76: {  	_ =	shalt  }
0x77: {  	_ =	shalt  }
0x78: {  	_ =	shalt  }
0x79: {  	_ =	shalt  }
0x7a: {  	_ =	shalt  }
0x7b: {  	_ =	shalt  }
0x7c: {  	_ =	shalt  }
0x7d: {  	_ =	shalt  }
0x7e: {  	_ =	shalt  }
0x7f: {  	_ =	shalt  }
0x80: {  	_ =	shalt  }
0x81: {  	_ =	shalt  }
0x82: {  	_ =	shalt  }
0x83: {  	_ =	shalt  }
0x84: {  	_ =	shalt  }
0x85: {  	_ =	shalt  }
0x86: {  	_ =	shalt  }
0x87: {  	_ =	shalt  }
.Lfunc_end0:
.L_simem_size_0:
called_computation_lowered:
.L_overlay_start_0:
0x88: {  	s2 =	sld [smem:$0x3FD9]  }
0x89: {  	s3 =	sld [smem:$0x3FFE];
	_ =	sdelay $0x1  }
0x8a: {  	s1 =	srdreg.scid  }
0x8b: {  	s0 =	sand.u32 $0x1, s1  }
0x8c: {  	s17 =	sshll.u32 s0, $0xA;
	s2 =	sadd.s32 s3, s2  }
0x8d: {  	s2 =	sadd.s32 s2, s17  }
0x8e: {  	[smem:$0x3FC6] =	sst s2  }
0x8f: {  	_ = 	snop  }
0x90: {  	s2 =	sld [smem:$0x3FC9]  }
0x91: {  	s18 =	sld [smem:$0x3FC8];
	(tm) =	ssettm $0x1  }
0x92: {  	s4 =	sld [smem:$0x3FFB];
	_ =	sdelay $0x3  }
0x93: {  	_ =	strace s4  }
0x94: {  	s4 =	sld [smem:$0x3FFC];
	_ =	sdelay $0x3  }
0x95: {  	_ =	strace s4  }
0x96: {  	s4 =	sld [smem:$0x3FFD];
	_ =	sdelay $0x3  }
0x97: {  	_ =	strace s4  }
0x98: {  	_ =	strace $0x8FFFFFFF  }
0x99: {  	s19 =	sld [smem:$0x3FDB];
	_ =	sdelay $0x1  }
0x9a: {  	s5 =	simm.s32 $_scs_section_size  }
0x9b: {  	s6 =	simm.s32 $_size__tile_overlayer_lowered;
	s7 =	simm.s32 $_tile_overlayer_lowered  }
0x9c: {  	s22 =	simm.s32 $0x1BFF;
	s21 =	sshll.u32 s7, $0x1;
	s4 =	sadd.s32 s5, s19  }
0x9d: {  	s8 =	simm.s32 $0x0;
	s20 =	sshll.u32 s6, $0x1;
	s6 =	sadd.s32 s21, s4  }
0x9e: {  	[timem:s8], [sflag:s22] =	dma.local [hbm:s6], s20  }
0x9f: {  	_ =	swait.ge [sflag:s22], s20  }
0xa0: {  	s5 =	ssub.s32 $0x0, s20;
	[sflag:s22] =	ssyncset.done $0x0  }
0xa1: {  	[sflag:s22] =	ssyncadd.s32 s5;
	_ =	sdelay $0x1  }
0xa2: {  	s23 =	simm.s32 $0x1B8B  }
0xa3: {  	_ =	swait.ge [sflag:s23], $0x1  }
0xa4: {  	[sflag:s23] =	ssyncset.done $0x0  }
0xa5: {  	s25 =	simm.s32 $0x1B8E;
	s24 =	sld [smem:$0x3FFE];
	[sflag:s23] =	ssyncadd.s32 $0xFFFFFFFF  }
0xa6: {  	s26 =	simm.s32 $execute0_lowered;
	[smem:$0x3FD2] =	sst s25  }
0xa7: {  	s6 =	sshll.u32 s26, $0x1;
	_ =	strace $0x80000046;
	[dreg:$0x1] =	wrdreg $0xFFFFFFFF  }
0xa8: {  	s28 =	simm.s32 $_size_execute0_lowered;
	s4 =	sadd.s32 s4, s6;
	[dreg:$0x0] =	wrdreg $0x0  }
0xa9: {  	s6 =	sshll.u32 s28, $0x1;
	[dreg:$0x2] =	wrdreg s4  }
0xaa: {  	[dreg:$0x3] =	wrdreg s6  }
0xab: {  	[dreg:$0x4] =	wrdreg $0xC0  }
0xac: {  	_ =	task [dreg:s8], $0x5FFFF  }
0xad: {  	[dreg:$0x1] =	wrdreg $0xFFFFFFFF  }
0xae: {  	[dreg:$0x0] =	wrdreg $0x60  }
0xaf: {  	[dreg:$0x2] =	wrdreg s2  }
0xb0: {  	[dreg:$0x3] =	wrdreg s18  }
0xb1: {  	[dreg:$0x4] =	wrdreg s24  }
0xb2: {  	[dreg:$0x5] =	wrdreg $0x9  }
0xb3: {  	_ =	task.clear_ibuf [dreg:s8], $0x6FFFF;
	_ =	strace $0x90000046  }
0xb4: {  	s29 =	simm.s32 $0x9;
	_ =	strace $0x80000048  }
0xb5: {  	_ =	swait.ge [sflag:s29], $0x1  }
0xb6: {  	[sflag:s29] =	ssyncadd.s32 $0xFFFFFFFF  }
0xb7: {  	_ =	strace $0x90000048  }
0xb8: {  	_ =	sfence  }
0xb9: {  	s30 =	sld [smem:$0x0];
	_ =	sdelay $0x2  }
0xba: {  	s31 =	sshll.u32 s1, $0xD;
	s1 =	sshrl.u32 s1, $0x2  }
0xbb: {  	s3 =	sand.u32 $0x4000, s31;
	s1 =	sadd.s32 s1, s30  }
0xbc: {  	s0 =	sor.u32 s3, s0;
	s1 =	sshll.u32 s1, $0x11  }
0xbd: {  	s0 =	sor.u32 s1, s0  }
0xbe: {  	s0 =	sadd.s32 $0x8F2B, s0  }
0xbf: {  	[sflag:s0] =	ssyncadd.remote.s32 $0x1  }
0xc0: {  	_ =	sfence.sel $0xFFFF  }
0xc1: {  	[dreg:$0x0] =	wrdreg $0xFFFFFFFF;
	(pc) =	sbr.abs _section_cstart, $3  }
0xc2: {  	[dreg:$0x1] =	wrdreg $0xFFFFFFFF  }
0xc3: {  	_ =	task.clear_ibuf [dreg:s8], $0x2FFFF;
	_ =	strace $0x9FFFFFFF  }
0xc4: {  	(tm) =	ssettm $0x7FFFFFFF  }
0xc5: {  	_ =	shalt  }
tec
execute0_lowered:
.L_overlay_start_1:
0x0: {  	(tag) =	ssettag $0x1  }
0x1: {  	s4 =	rddreg [dreg:$0x0]  }
0x2: {  	s1 =	rddreg [dreg:$0x1];
	v0 =	vimm.s32 $0xEFCDAB89;
	s2 =	srdreg.scid;
	v1 =	vimm.s32 $0x67452301  }
0x3: {  	s0 =	stileid.u32;
	s5 =	rddreg [dreg:$0x2];
	v2 =	vimm.s32 $0xDCFE98BA;
	v3 =	vimm.s32 $0x54761032;
	v4 =	vimm.s32 $0xBA98FEDC  }
0x4: {  	s3 =	simm.s32 $0x0;
	v5 =	vimm.s32 $0xFEDCBA98;
	v6 =	vimm.s32 $0x32107654;
	s14 =	simm.s32 $0x80;
	s15 =	simm.s32 $0x400  }
0x5: {  	v7 =	vimm.s32 $0x76543210;
	s16 =	simm.s32 $0x8000;
	vm0 =	vcmask $0x320;
	s17 =	simm.s32 $0x3;
	s18 =	simm.s32 $0x1;
	vm1 =	vcmask $0x720  }
0x6: {  	s19 =	simm.s32 $0x10000;
	vm2 =	vcmask $0xB20;
	vm3 =	vcmask $0xF20;
	vm4 =	vcmask $0x1320;
	s6 =	sand.u32 $0x1, s2;
	s7 =	sshll.u32 s0, $0x1  }
0x7: {  	s20 =	simm.s32 $0x2;
	vm5 =	vcmask $0x1720;
	vm6 =	vcmask $0x1B20;
	s21 =	simm.s32 $0x18000;
	v0 =	vunpack.c.l.s4.s8 v0;
	s7 =	sor.u32 s6, s7  }
0x8: {  	s22 =	simm.s32 $0x0;
	v1 =	vunpack.c.l.s4.s8 v1;
	[smem:$0x7FF] =	sst s3;
	v2 =	vunpack.c.l.s4.s8 v2;
	v3 =	vunpack.c.l.s4.s8 v3;
	s8 =	sshll.u32 s7, $0xF  }
0x9: {  	s2 =	rddreg [dreg:$0x3];
	v5 =	vunpack.c.l.s4.s8 v5;
	v4 =	vunpack.c.l.s4.s8 v4;
	v6 =	vunpack.c.l.s4.s8 v6;
	_ =	strace $0x80000047;
	s11 =	sadd.s32 s8, s4  }
0xa: {  	v7 =	vunpack.c.l.s4.s8 v7;
	s9 =	ssub.s32 $0x2, s6;
	v0 =	vunpack.c.0.s8.s32 v0;
	v1 =	vunpack.c.0.s8.s32 v1;
	s7 =	sshll.u32 s7, $0x4;
	s4 =	sadd.s32 $0x700000, s11  }
0xb: {  	v2 =	vunpack.c.0.s8.s32 v2;
	v3 =	vunpack.c.0.s8.s32 v3;
	v5 =	vunpack.c.0.s8.s32 v5;
	s12 =	sadd.s32 s7, s5;
	s5 =	sadd.s32 $0x700010, s11;
	s6 =	sadd.s32 $0x700020, s11  }
0xc: {  	s10 =	sshrl.u32 s9, $0x1;
	v4 =	vunpack.c.0.s8.s32 v4;
	v6 =	vunpack.c.0.s8.s32 v6;
	v7 =	vunpack.c.0.s8.s32 v7;
	s7 =	sadd.s32 $0x700030, s11;
	s8 =	sadd.s32 $0x700040, s11  }
0xd: {  	s13 =	ssub.s32 s9, s10;
	s9 =	sadd.s32 $0x700050, s11;
	s10 =	sadd.s32 $0x700060, s11;
	v0 =	vcombine.low v1, v0;
	v1 =	vcombine.low v3, v2;
	v3 =	vand.u32 $0xF, v5  }
0xe: {  	vm7 =	vmmov $0x1;
	s11 =	sadd.s32 $0x700070, s11;
	s12 =	sadd.s32 $0x200, s12;
	s13 =	smax.u32 s13, $0x1;
	v2 =	vcombine.low v6, v4;
	v3 =	vcombine.low v3, v7  }
.LBB2_1:
0xf: {  	[tilespmem:s16], [sflag:$0x1] =	stream.strided.gather [hbm4b:s4+s14], $0x8000, s15, s14, $0x38;
	[tilespmem:$0x18080] =	vst v63  }
0x10: {  	_ = 	snop  }
0x11: {  	[tilespmem:s3], [sflag:$0x3] =	stream.linear.gather [hbm4b:s1+s3], $0x8000, $0x38;
	[tilespmem:$0x18080] =	vst v63  }
0x12: {  	_ =	swait.ge [sflag:s17], $0x8000  }
0x13: {  	[sflag:s17] =	ssyncset.done $0x0  }
0x14: {  	s23 =	simm.s32 $0x0;
	[sflag:s17] =	ssyncadd.s32 $0xFFFF8000  }
0x15: {  	v13 =	vld [tilespmem:s23+$0x40]  }
0x16: {  	v5 =	vld [tilespmem:s23+$0x50]  }
0x17: {  	v4 =	vld [tilespmem:s23+$0x60]  }
0x18: {  	v8 =	vld [tilespmem:s23+$0x0]  }
0x19: {  	v6 =	vimm.f32 $-Inf;
	v7 =	vld [tilespmem:s23+$0x10]  }
0x1a: {  	s24 =	simm.s32 $0x200;
	v9 =	vimm.f32 $-Inf;
	v10 =	vimm.f32 $-Inf;
	v12 =	vimm.f32 $-Inf;
	v11 =	vld [tilespmem:s23+$0x20]  }
.LBB2_2:
0x1b: {  	p0 =	sne.s32 s24, $0x1FE00;
	v14 =	vld [tilespmem:s23+$0x30];
	v15 =	vmov v5  }
0x1c: {  	v16 =	vld [tilespmem:s23+$0x70];
	s23 =	sshra.s32 s24, $0x2;
	v17 =	vmov v4  }
0x1d: {  	v18 =	vld [tilespmem:s23+$0x40]  }
.Ltmp0:
0x1e: {  	v6 =	vmax.f32 v6, v8;
	v5 =	vld [tilespmem:s23+$0x50];
	(pc) =	sbr.rel @p0 .LBB2_2-.Ltmp0, $4  }
0x1f: {  	v6 =	vmax.f32 v6, v13;
	v4 =	vld [tilespmem:s23+$0x60]  }
0x20: {  	v9 =	vmax.f32 v9, v7;
	v10 =	vmax.f32 v10, v11;
	v8 =	vld [tilespmem:s23+$0x0];
	v11 =	vmax.f32 v12, v14  }
0x21: {  	v9 =	vmax.f32 v9, v15;
	v10 =	vmax.f32 v10, v17;
	v7 =	vld [tilespmem:s23+$0x10];
	v12 =	vmax.f32 v11, v16  }
0x22: {  	s24 =	sadd.s32 $0x200, s24;
	v11 =	vld [tilespmem:s23+$0x20];
	v13 =	vmov v18  }
0x23: {  	v14 =	vld [tilespmem:s23+$0x30]  }
0x24: {  	v15 =	vld [tilespmem:s23+$0x70];
	_ =	sdelay $0x1  }
0x25: {  	v6 =	vmax.f32 v6, v8  }
0x26: {  	v6 =	vmax.f32 v6, v13  }
0x27: {  	v7 =	vmax.f32 v9, v7;
	v8 =	vmax.f32 v10, v11;
	v9 =	vmax.f32 v12, v14  }
0x28: {  	v5 =	vmax.f32 v7, v5;
	v4 =	vmax.f32 v8, v4;
	v7 =	vmax.f32 v9, v15  }
0x29: {  	v5 =	vmax.f32 v6, v5;
	v4 =	vmax.f32 v4, v7  }
0x2a: {  	v4 =	vmax.f32 v5, v4  }
0x2b: {  	v5 =	vperm.xlane v4, v0;
	_ =	sdelay $0x1  }
0x2c: {  	v4 =	vmax.f32 v4, v5  }
0x2d: {  	v5 =	vperm.xlane v4, v1;
	_ =	sdelay $0x1  }
0x2e: {  	v4 =	vmax.f32 v4, v5  }
0x2f: {  	s23 =	simm.s32 $0x0;
	v5 =	vperm.xlane v4, v2  }
0x30: {  	v6 =	vld [tilespmem:s23+$0x0]  }
0x31: {  	v4 =	vmax.f32 v4, v5  }
0x32: {  	v5 =	vperm.xlane v4, v3  }
0x33: {  	v7 =	vld [tilespmem:s23+$0x40]  }
0x34: {  	v4 =	vmax.f32 v4, v5;
	v5 =	vld [tilespmem:s23+$0x10]  }
0x35: {  	v6 =	vsub.f32 v6, v4  }
0x36: {  	v8 =	vld [tilespmem:s23+$0x50]  }
0x37: {  	v9 =	vld [tilespmem:s23+$0x20];
	v6 =	vmul.f32 $1.442695020e+00, v6  }
0x38: {  	v10 =	vld [tilespmem:s23+$0x30];
	v7 =	vsub.f32 v7, v4  }
0x39: {  	v5 =	vsub.f32 v5, v4;
	(erf) = vpow2.f32 v6;
	v6 =	vld [tilespmem:s23+$0x60]  }
0x3a: {  	v7 =	vmul.f32 $1.442695020e+00, v7  }
0x3b: {  	v8 =	vsub.f32 v8, v4;
	v5 =	vmul.f32 $1.442695020e+00, v5  }
0x3c: {  	(erf) = vpow2.f32 v7;
	v7 =	vsub.f32 v9, v4  }
0x3d: {  	v8 =	vmul.f32 $1.442695020e+00, v8;
	(erf) = vpow2.f32 v5  }
0x3e: {  	v5 =	vsub.f32 v6, v4;
	v6 =	vmul.f32 $1.442695020e+00, v7;
	v7 =	vsub.f32 v10, v4;
	_ =	sdelay $0x1  }
0x3f: {  	(erf) = vpow2.f32 v8;
	v5 =	vmul.f32 $1.442695020e+00, v5  }
0x40: {  	(erf) = vpow2.f32 v6  }
0x41: {  	v8 =	vld [tilespmem:s23+$0x70];
	v6 =	vmul.f32 $1.442695020e+00, v7;
	v7 =	vpop (erf);
	(erf) = vpow2.f32 v5;
	_ =	sdelay $0x4  }
0x42: {  	v8 =	vsub.f32 v8, v4;
	v5 =	vpop (erf)  }
0x43: {  	v9 =	vpop (erf)  }
0x44: {  	v17 =	vmul.f32 $1.442695020e+00, v8;
	v15 =	vpop (erf)  }
0x45: {  	(erf) = vpow2.f32 v6;
	v16 =	vpop (erf)  }
0x46: {  	v8 =	vpop (erf);
	(erf) = vpow2.f32 v17;
	_ =	sdelay $0x2  }
0x47: {  	s24 =	simm.s32 $0x80;
	[tilespmem:s23+$0x0] =	vst v7  }
0x48: {  	v6 =	vimm.f32 $0.0e+00;
	v13 =	vld [tilespmem:s24+$0x0];
	[tilespmem:s23+$0x40] =	vst v5  }
0x49: {  	v7 =	vadd.f32 v7, v6;
	v10 =	vld [tilespmem:s24+$0x40];
	[tilespmem:s23+$0x10] =	vst v9  }
0x4a: {  	v18 =	vadd.f32 v9, v6;
	v11 =	vld [tilespmem:s24+$0x10];
	[tilespmem:s23+$0x50] =	vst v15  }
0x4b: {  	v5 =	vadd.f32 v5, v7;
	v12 =	vld [tilespmem:s24+$0x50];
	[tilespmem:s23+$0x20] =	vst v16  }
0x4c: {  	s25 =	simm.s32 $0x400;
	v7 =	vadd.f32 v15, v18;
	v9 =	vadd.f32 v16, v6;
	v14 =	vld [tilespmem:s24+$0x20];
	[tilespmem:s23+$0x60] =	vst v8;
	v15 =	vpop (erf)  }
.LBB2_4:
0x4d: {  	p0 =	sne.s32 s25, $0x1FE00;
	v13 =	vsub.f32 v13, v4;
	v16 =	vld [tilespmem:s24+$0x60];
	[tilespmem:s23+$0x30] =	vst v15;
	v6 =	vadd.f32 v15, v6;
	v15 =	vpop (erf)  }
0x4e: {  	v8 =	vadd.f32 v8, v9;
	v17 =	vld [tilespmem:s24+$0x30];
	v10 =	vsub.f32 v10, v4;
	[tilespmem:s23+$0x70] =	vst v15;
	s23 =	smov.u32 s24  }
0x4f: {  	v9 =	vmul.f32 $1.442695020e+00, v13;
	v11 =	vsub.f32 v11, v4;
	v13 =	vld [tilespmem:s23+$0x70];
	v6 =	vadd.f32 v15, v6  }
0x50: {  	v10 =	vmul.f32 $1.442695020e+00, v10;
	v12 =	vsub.f32 v12, v4  }
0x51: {  	v11 =	vmul.f32 $1.442695020e+00, v11;
	v14 =	vsub.f32 v14, v4;
	(erf) = vpow2.f32 v9  }
0x52: {  	v9 =	vmul.f32 $1.442695020e+00, v12;
	v12 =	vsub.f32 v16, v4;
	(erf) = vpow2.f32 v10  }
0x53: {  	v10 =	vmul.f32 $1.442695020e+00, v14;
	v14 =	vsub.f32 v17, v4;
	(erf) = vpow2.f32 v11  }
0x54: {  	v11 =	vmul.f32 $1.442695020e+00, v12;
	v12 =	vsub.f32 v13, v4;
	(erf) = vpow2.f32 v9  }
0x55: {  	v9 =	vmul.f32 $1.442695020e+00, v14;
	(erf) = vpow2.f32 v10  }
0x56: {  	v10 =	vmul.f32 $1.442695020e+00, v12;
	(erf) = vpow2.f32 v11  }
0x57: {  	(erf) = vpow2.f32 v9  }
0x58: {  	(erf) = vpow2.f32 v10;
	_ =	sdelay $0x1  }
0x59: {  	v9 =	vpop (erf)  }
0x5a: {  	s24 =	sshra.s32 s25, $0x2;
	[tilespmem:s23+$0x0] =	vst v9;
	v5 =	vadd.f32 v9, v5;
	v9 =	vpop (erf)  }
.Ltmp1:
0x5b: {  	v13 =	vld [tilespmem:s24+$0x0];
	[tilespmem:s23+$0x40] =	vst v9;
	v11 =	vpop (erf);
	(pc) =	sbr.rel @p0 .LBB2_4-.Ltmp1, $4  }
0x5c: {  	v10 =	vld [tilespmem:s24+$0x40];
	[tilespmem:s23+$0x10] =	vst v11;
	v7 =	vadd.f32 v11, v7;
	v5 =	vadd.f32 v9, v5;
	v14 =	vpop (erf)  }
0x5d: {  	v11 =	vld [tilespmem:s24+$0x10];
	[tilespmem:s23+$0x50] =	vst v14;
	v9 =	vpop (erf)  }
0x5e: {  	v12 =	vld [tilespmem:s24+$0x50];
	[tilespmem:s23+$0x20] =	vst v9;
	v9 =	vadd.f32 v9, v8;
	v7 =	vadd.f32 v14, v7;
	v8 =	vpop (erf)  }
0x5f: {  	s25 =	sadd.s32 $0x200, s25;
	v14 =	vld [tilespmem:s24+$0x20];
	[tilespmem:s23+$0x60] =	vst v8;
	v15 =	vpop (erf)  }
0x60: {  	v16 =	vld [tilespmem:s24+$0x60];
	v13 =	vsub.f32 v13, v4;
	[tilespmem:s23+$0x30] =	vst v15;
	v17 =	vpop (erf)  }
0x61: {  	v18 =	vld [tilespmem:s24+$0x30];
	v10 =	vsub.f32 v10, v4;
	[tilespmem:s23+$0x70] =	vst v17  }
0x62: {  	v13 =	vmul.f32 $1.442695020e+00, v13;
	v11 =	vsub.f32 v11, v4;
	v19 =	vld [tilespmem:s24+$0x70]  }
0x63: {  	v10 =	vmul.f32 $1.442695020e+00, v10;
	v12 =	vsub.f32 v12, v4  }
0x64: {  	v11 =	vmul.f32 $1.442695020e+00, v11;
	v14 =	vsub.f32 v14, v4;
	(erf) = vpow2.f32 v13  }
0x65: {  	v12 =	vmul.f32 $1.442695020e+00, v12;
	v13 =	vsub.f32 v16, v4;
	(erf) = vpow2.f32 v10  }
0x66: {  	v10 =	vmul.f32 $1.442695020e+00, v14;
	v14 =	vsub.f32 v18, v4;
	(erf) = vpow2.f32 v11  }
0x67: {  	v11 =	vmul.f32 $1.442695020e+00, v13;
	(erf) = vpow2.f32 v12;
	v4 =	vsub.f32 v19, v4  }
0x68: {  	v12 =	vmul.f32 $1.442695020e+00, v14;
	(erf) = vpow2.f32 v10  }
0x69: {  	(erf) = vpow2.f32 v11;
	v4 =	vmul.f32 $1.442695020e+00, v4  }
0x6a: {  	(erf) = vpow2.f32 v12;
	_ =	sdelay $0x1  }
0x6b: {  	(erf) = vpow2.f32 v4  }
0x6c: {  	v4 =	vpop (erf)  }
0x6d: {  	v10 =	vpop (erf)  }
0x6e: {  	v11 =	vpop (erf)  }
0x6f: {  	v6 =	vadd.f32 v15, v6;
	[tilespmem:s24+$0x0] =	vst v4;
	v12 =	vpop (erf)  }
0x70: {  	[tilespmem:s24+$0x40] =	vst v10;
	v13 =	vpop (erf)  }
0x71: {  	v8 =	vadd.f32 v8, v9;
	v6 =	vadd.f32 v17, v6;
	[tilespmem:s24+$0x10] =	vst v11;
	v9 =	vpop (erf)  }
0x72: {  	v4 =	vadd.f32 v4, v5;
	v5 =	vadd.f32 v11, v7;
	[tilespmem:s24+$0x50] =	vst v12;
	v7 =	vpop (erf)  }
0x73: {  	[tilespmem:s24+$0x20] =	vst v13;
	v8 =	vadd.f32 v13, v8;
	v6 =	vadd.f32 v7, v6  }
0x74: {  	v4 =	vadd.f32 v10, v4;
	v5 =	vadd.f32 v12, v5;
	[tilespmem:s24+$0x60] =	vst v9;
	v10 =	vpop (erf)  }
0x75: {  	[tilespmem:s24+$0x30] =	vst v7;
	v7 =	vadd.f32 v9, v8;
	v6 =	vadd.f32 v10, v6  }
0x76: {  	[tilespmem:s24+$0x70] =	vst v10  }
0x77: {  	v4 =	vadd.f32 v5, v4;
	_ =	swait.ge [sflag:s18], $0x8000;
	v5 =	vadd.f32 v6, v7  }
0x78: {  	[sflag:s18] =	ssyncset.done $0x0  }
0x79: {  	s23 =	simm.s32 $0x0;
	[sflag:s18] =	ssyncadd.s32 $0xFFFF8000;
	v4 =	vadd.f32 v5, v4  }
0x7a: {  	[tilespmem:s19], [sflag:$0x2] =	stream.strided.gather [hbm4b:s5+s14], $0x8000, s15, s14, $0x38;
	[tilespmem:$0x18080] =	vst v63  }
0x7b: {  	v7 =	vld [tilespmem:s23+$0x8040];
	v5 =	vperm.xlane v4, v0  }
0x7c: {  	v8 =	vld [tilespmem:s23+$0x40]  }
0x7d: {  	v10 =	vld [tilespmem:s23+$0x8050];
	v4 =	vadd.f32 v5, v4  }
0x7e: {  	v11 =	vld [tilespmem:s23+$0x50]  }
0x7f: {  	v6 =	vld [tilespmem:s23+$0x8060];
	v5 =	vperm.xlane v4, v1  }
0x80: {  	v9 =	vld [tilespmem:s23+$0x60]  }
0x81: {  	v16 =	vld [tilespmem:s23+$0x8000];
	v4 =	vadd.f32 v5, v4  }
0x82: {  	v17 =	vld [tilespmem:s23+$0x0]  }
0x83: {  	v18 =	vld [tilespmem:s23+$0x8010];
	v5 =	vperm.xlane v4, v2  }
0x84: {  	v20 =	vld [tilespmem:s23+$0x10]  }
0x85: {  	v19 =	vld [tilespmem:s23+$0x8020];
	v4 =	vadd.f32 v5, v4  }
0x86: {  	v15 =	vimm.f32 $0.0e+00;
	v14 =	vimm.f32 $0.0e+00;
	v21 =	vld [tilespmem:s23+$0x20]  }
0x87: {  	v12 =	vimm.f32 $0.0e+00;
	v13 =	vimm.f32 $0.0e+00;
	s24 =	simm.s32 $0x200;
	v22 =	vld [tilespmem:s23+$0x8030];
	v5 =	vperm.xlane v4, v3  }
.LBB2_6:
0x88: {  	p0 =	sne.s32 s24, $0x1FE00;
	v23 =	vld [tilespmem:s23+$0x30]  }
0x89: {  	v24 =	vld [tilespmem:s23+$0x8070]  }
0x8a: {  	v25 =	vld [tilespmem:s23+$0x70];
	s23 =	sshra.s32 s24, $0x2  }
0x8b: {  	v26 =	vmul.f32 v8, v7;
	v27 =	vmul.f32 v11, v10;
	v7 =	vld [tilespmem:s23+$0x8040]  }
0x8c: {  	v16 =	vmul.f32 v17, v16;
	v17 =	vmul.f32 v20, v18;
	v8 =	vld [tilespmem:s23+$0x40]  }
0x8d: {  	v18 =	vmul.f32 v21, v19;
	v10 =	vld [tilespmem:s23+$0x8050];
	v19 =	vmul.f32 v23, v22  }
0x8e: {  	v12 =	vadd.f32 v16, v12;
	v15 =	vadd.f32 v17, v15;
	v17 =	vmul.f32 v9, v6;
	v11 =	vld [tilespmem:s23+$0x50]  }
0x8f: {  	v13 =	vadd.f32 v18, v13;
	v6 =	vld [tilespmem:s23+$0x8060];
	v14 =	vadd.f32 v19, v14;
	v18 =	vmul.f32 v25, v24  }
0x90: {  	v12 =	vadd.f32 v26, v12;
	v15 =	vadd.f32 v27, v15;
	v9 =	vld [tilespmem:s23+$0x60]  }
0x91: {  	v13 =	vadd.f32 v17, v13;
	v16 =	vld [tilespmem:s23+$0x8000];
	v14 =	vadd.f32 v18, v14  }
0x92: {  	v17 =	vld [tilespmem:s23+$0x0]  }
.Ltmp2:
0x93: {  	v18 =	vld [tilespmem:s23+$0x8010];
	(pc) =	sbr.rel @p0 .LBB2_6-.Ltmp2, $4  }
0x94: {  	v20 =	vld [tilespmem:s23+$0x10]  }
0x95: {  	v19 =	vld [tilespmem:s23+$0x8020]  }
0x96: {  	v21 =	vld [tilespmem:s23+$0x20]  }
0x97: {  	s24 =	sadd.s32 $0x200, s24;
	v22 =	vld [tilespmem:s23+$0x8030]  }
0x98: {  	v23 =	vld [tilespmem:s23+$0x30]  }
0x99: {  	v24 =	vld [tilespmem:s23+$0x8070]  }
0x9a: {  	v25 =	vld [tilespmem:s23+$0x70]  }
0x9b: {  	v7 =	vmul.f32 v8, v7;
	v8 =	vmul.f32 v11, v10  }
0x9c: {  	v10 =	vmul.f32 v17, v16;
	v11 =	vmul.f32 v20, v18  }
0x9d: {  	v16 =	vmul.f32 v21, v19;
	v17 =	vmul.f32 v23, v22  }
0x9e: {  	v6 =	vmul.f32 v9, v6;
	v10 =	vadd.f32 v10, v12;
	v11 =	vadd.f32 v11, v15  }
0x9f: {  	v9 =	vadd.f32 v16, v13;
	v13 =	vmul.f32 v25, v24;
	v12 =	vadd.f32 v17, v14  }
0xa0: {  	v7 =	vadd.f32 v7, v10;
	v8 =	vadd.f32 v8, v11  }
0xa1: {  	v6 =	vadd.f32 v6, v9;
	v9 =	vadd.f32 v13, v12;
	_ =	sdelay $0x1  }
0xa2: {  	_ =	swait.ge [sflag:s20], $0x8000;
	v7 =	vadd.f32 v8, v7;
	v6 =	vadd.f32 v9, v6  }
0xa3: {  	[sflag:s20] =	ssyncset.done $0x0  }
0xa4: {  	s23 =	simm.s32 $0x0;
	[sflag:s20] =	ssyncadd.s32 $0xFFFF8000;
	v6 =	vadd.f32 v6, v7  }
0xa5: {  	[tilespmem:s16], [sflag:$0x1] =	stream.strided.gather [hbm4b:s6+s14], $0x8000, s15, s14, $0x38;
	[tilespmem:$0x18080] =	vst v63  }
0xa6: {  	v10 =	vld [tilespmem:s23+$0x40];
	v7 =	vperm.xlane v6, v0  }
0xa7: {  	v18 =	vld [tilespmem:s23+$0x10000]  }
0xa8: {  	v19 =	vld [tilespmem:s23+$0x0];
	v6 =	vadd.f32 v7, v6  }
0xa9: {  	v20 =	vld [tilespmem:s23+$0x10010]  }
0xaa: {  	v21 =	vld [tilespmem:s23+$0x10020];
	v7 =	vperm.xlane v6, v1  }
0xab: {  	v11 =	vld [tilespmem:s23+$0x60]  }
0xac: {  	v22 =	vld [tilespmem:s23+$0x10];
	v6 =	vadd.f32 v7, v6  }
0xad: {  	v23 =	vld [tilespmem:s23+$0x20]  }
0xae: {  	v24 =	vld [tilespmem:s23+$0x10030];
	v7 =	vperm.xlane v6, v2  }
0xaf: {  	v12 =	vld [tilespmem:s23+$0x10050]  }
0xb0: {  	v13 =	vld [tilespmem:s23+$0x50];
	v6 =	vadd.f32 v7, v6  }
0xb1: {  	v15 =	vimm.f32 $0.0e+00;
	v16 =	vimm.f32 $0.0e+00;
	v9 =	vld [tilespmem:s23+$0x10040]  }
0xb2: {  	s24 =	simm.s32 $0x200;
	v8 =	vld [tilespmem:s23+$0x10060];
	v14 =	vimm.f32 $0.0e+00;
	v17 =	vimm.f32 $0.0e+00;
	v7 =	vperm.xlane v6, v3  }
.LBB2_8:
0xb3: {  	p0 =	sne.s32 s24, $0x1FE00;
	v25 =	vld [tilespmem:s23+$0x30]  }
0xb4: {  	v26 =	vld [tilespmem:s23+$0x10070]  }
0xb5: {  	v27 =	vld [tilespmem:s23+$0x70];
	s23 =	sshra.s32 s24, $0x2  }
0xb6: {  	v28 =	vmul.f32 v10, v9;
	v29 =	vmul.f32 v13, v12;
	v9 =	vld [tilespmem:s23+$0x10040]  }
0xb7: {  	v18 =	vmul.f32 v19, v18;
	v19 =	vmul.f32 v22, v20;
	v10 =	vld [tilespmem:s23+$0x40]  }
0xb8: {  	v20 =	vmul.f32 v23, v21;
	v12 =	vld [tilespmem:s23+$0x10050];
	v21 =	vmul.f32 v25, v24  }
0xb9: {  	v14 =	vadd.f32 v18, v14;
	v17 =	vadd.f32 v19, v17;
	v19 =	vmul.f32 v11, v8;
	v13 =	vld [tilespmem:s23+$0x50]  }
0xba: {  	v15 =	vadd.f32 v20, v15;
	v8 =	vld [tilespmem:s23+$0x10060];
	v16 =	vadd.f32 v21, v16;
	v20 =	vmul.f32 v27, v26  }
0xbb: {  	v14 =	vadd.f32 v28, v14;
	v17 =	vadd.f32 v29, v17;
	v11 =	vld [tilespmem:s23+$0x60]  }
0xbc: {  	v15 =	vadd.f32 v19, v15;
	v18 =	vld [tilespmem:s23+$0x10000];
	v16 =	vadd.f32 v20, v16  }
0xbd: {  	v19 =	vld [tilespmem:s23+$0x0]  }
.Ltmp3:
0xbe: {  	v20 =	vld [tilespmem:s23+$0x10010];
	(pc) =	sbr.rel @p0 .LBB2_8-.Ltmp3, $4  }
0xbf: {  	v22 =	vld [tilespmem:s23+$0x10]  }
0xc0: {  	v21 =	vld [tilespmem:s23+$0x10020]  }
0xc1: {  	v23 =	vld [tilespmem:s23+$0x20]  }
0xc2: {  	s24 =	sadd.s32 $0x200, s24;
	v24 =	vld [tilespmem:s23+$0x10030]  }
0xc3: {  	v25 =	vld [tilespmem:s23+$0x30]  }
0xc4: {  	v26 =	vld [tilespmem:s23+$0x10070]  }
0xc5: {  	v27 =	vld [tilespmem:s23+$0x70]  }
0xc6: {  	v9 =	vmul.f32 v10, v9;
	v10 =	vmul.f32 v13, v12  }
0xc7: {  	v12 =	vmul.f32 v19, v18;
	v13 =	vmul.f32 v22, v20  }
0xc8: {  	v18 =	vmul.f32 v23, v21;
	v19 =	vmul.f32 v25, v24  }
0xc9: {  	v8 =	vmul.f32 v11, v8;
	v12 =	vadd.f32 v12, v14;
	v13 =	vadd.f32 v13, v17  }
0xca: {  	v11 =	vadd.f32 v18, v15;
	v15 =	vmul.f32 v27, v26;
	v14 =	vadd.f32 v19, v16  }
0xcb: {  	v9 =	vadd.f32 v9, v12;
	v10 =	vadd.f32 v10, v13  }
0xcc: {  	v8 =	vadd.f32 v8, v11;
	v11 =	vadd.f32 v15, v14;
	_ =	sdelay $0x1  }
0xcd: {  	_ =	swait.ge [sflag:s18], $0x8000;
	v9 =	vadd.f32 v10, v9;
	v8 =	vadd.f32 v11, v8  }
0xce: {  	[sflag:s18] =	ssyncset.done $0x0  }
0xcf: {  	s23 =	simm.s32 $0x0;
	[sflag:s18] =	ssyncadd.s32 $0xFFFF8000;
	v8 =	vadd.f32 v8, v9  }
0xd0: {  	[tilespmem:s19], [sflag:$0x2] =	stream.strided.gather [hbm4b:s7+s14], $0x8000, s15, s14, $0x38;
	[tilespmem:$0x18080] =	vst v63  }
0xd1: {  	v12 =	vld [tilespmem:s23+$0x40];
	v9 =	vperm.xlane v8, v0  }
0xd2: {  	v20 =	vld [tilespmem:s23+$0x8000]  }
0xd3: {  	v21 =	vld [tilespmem:s23+$0x0];
	v8 =	vadd.f32 v9, v8  }
0xd4: {  	v22 =	vld [tilespmem:s23+$0x8010]  }
0xd5: {  	v23 =	vld [tilespmem:s23+$0x8020];
	v9 =	vperm.xlane v8, v1  }
0xd6: {  	v13 =	vld [tilespmem:s23+$0x60]  }
0xd7: {  	v24 =	vld [tilespmem:s23+$0x10];
	v8 =	vadd.f32 v9, v8  }
0xd8: {  	v25 =	vld [tilespmem:s23+$0x20]  }
0xd9: {  	v26 =	vld [tilespmem:s23+$0x8030];
	v9 =	vperm.xlane v8, v2  }
0xda: {  	v14 =	vld [tilespmem:s23+$0x8050]  }
0xdb: {  	v15 =	vld [tilespmem:s23+$0x50];
	v8 =	vadd.f32 v9, v8  }
0xdc: {  	v17 =	vimm.f32 $0.0e+00;
	v18 =	vimm.f32 $0.0e+00;
	v11 =	vld [tilespmem:s23+$0x8040]  }
0xdd: {  	s24 =	simm.s32 $0x200;
	v10 =	vld [tilespmem:s23+$0x8060];
	v16 =	vimm.f32 $0.0e+00;
	v19 =	vimm.f32 $0.0e+00;
	v9 =	vperm.xlane v8, v3  }
.LBB2_10:
0xde: {  	p0 =	sne.s32 s24, $0x1FE00;
	v27 =	vld [tilespmem:s23+$0x30]  }
0xdf: {  	v28 =	vld [tilespmem:s23+$0x8070]  }
0xe0: {  	v29 =	vld [tilespmem:s23+$0x70];
	s23 =	sshra.s32 s24, $0x2  }
0xe1: {  	v30 =	vmul.f32 v12, v11;
	v31 =	vmul.f32 v15, v14;
	v11 =	vld [tilespmem:s23+$0x8040]  }
0xe2: {  	v20 =	vmul.f32 v21, v20;
	v21 =	vmul.f32 v24, v22;
	v12 =	vld [tilespmem:s23+$0x40]  }
0xe3: {  	v22 =	vmul.f32 v25, v23;
	v14 =	vld [tilespmem:s23+$0x8050];
	v23 =	vmul.f32 v27, v26  }
0xe4: {  	v16 =	vadd.f32 v20, v16;
	v19 =	vadd.f32 v21, v19;
	v21 =	vmul.f32 v13, v10;
	v15 =	vld [tilespmem:s23+$0x50]  }
0xe5: {  	v17 =	vadd.f32 v22, v17;
	v10 =	vld [tilespmem:s23+$0x8060];
	v18 =	vadd.f32 v23, v18;
	v22 =	vmul.f32 v29, v28  }
0xe6: {  	v16 =	vadd.f32 v30, v16;
	v19 =	vadd.f32 v31, v19;
	v13 =	vld [tilespmem:s23+$0x60]  }
0xe7: {  	v17 =	vadd.f32 v21, v17;
	v20 =	vld [tilespmem:s23+$0x8000];
	v18 =	vadd.f32 v22, v18  }
0xe8: {  	v21 =	vld [tilespmem:s23+$0x0]  }
.Ltmp4:
0xe9: {  	v22 =	vld [tilespmem:s23+$0x8010];
	(pc) =	sbr.rel @p0 .LBB2_10-.Ltmp4, $4  }
0xea: {  	v24 =	vld [tilespmem:s23+$0x10]  }
0xeb: {  	v23 =	vld [tilespmem:s23+$0x8020]  }
0xec: {  	v25 =	vld [tilespmem:s23+$0x20]  }
0xed: {  	s24 =	sadd.s32 $0x200, s24;
	v26 =	vld [tilespmem:s23+$0x8030]  }
0xee: {  	v27 =	vld [tilespmem:s23+$0x30]  }
0xef: {  	v28 =	vld [tilespmem:s23+$0x8070]  }
0xf0: {  	v29 =	vld [tilespmem:s23+$0x70]  }
0xf1: {  	v11 =	vmul.f32 v12, v11;
	v12 =	vmul.f32 v15, v14  }
0xf2: {  	v14 =	vmul.f32 v21, v20;
	v15 =	vmul.f32 v24, v22  }
0xf3: {  	v20 =	vmul.f32 v25, v23;
	v21 =	vmul.f32 v27, v26  }
0xf4: {  	v10 =	vmul.f32 v13, v10;
	v14 =	vadd.f32 v14, v16;
	v15 =	vadd.f32 v15, v19  }
0xf5: {  	v13 =	vadd.f32 v20, v17;
	v17 =	vmul.f32 v29, v28;
	v16 =	vadd.f32 v21, v18  }
0xf6: {  	v11 =	vadd.f32 v11, v14;
	v12 =	vadd.f32 v12, v15  }
0xf7: {  	v10 =	vadd.f32 v10, v13;
	v13 =	vadd.f32 v17, v16;
	_ =	sdelay $0x1  }
0xf8: {  	_ =	swait.ge [sflag:s20], $0x8000;
	v11 =	vadd.f32 v12, v11;
	v10 =	vadd.f32 v13, v10  }
0xf9: {  	[sflag:s20] =	ssyncset.done $0x0  }
0xfa: {  	s23 =	simm.s32 $0x0;
	[sflag:s20] =	ssyncadd.s32 $0xFFFF8000;
	v10 =	vadd.f32 v10, v11  }
0xfb: {  	[tilespmem:s16], [sflag:$0x1] =	stream.strided.gather [hbm4b:s8+s14], $0x8000, s15, s14, $0x38;
	[tilespmem:$0x18080] =	vst v63  }
0xfc: {  	v14 =	vld [tilespmem:s23+$0x40];
	v11 =	vperm.xlane v10, v0  }
0xfd: {  	v22 =	vld [tilespmem:s23+$0x10000]  }
0xfe: {  	v23 =	vld [tilespmem:s23+$0x0];
	v10 =	vadd.f32 v11, v10  }
0xff: {  	v24 =	vld [tilespmem:s23+$0x10010]  }
0x100: {  	v25 =	vld [tilespmem:s23+$0x10020];
	v11 =	vperm.xlane v10, v1  }
0x101: {  	v15 =	vld [tilespmem:s23+$0x60]  }
0x102: {  	v26 =	vld [tilespmem:s23+$0x10];
	v10 =	vadd.f32 v11, v10  }
0x103: {  	v27 =	vld [tilespmem:s23+$0x20]  }
0x104: {  	v28 =	vld [tilespmem:s23+$0x10030];
	v11 =	vperm.xlane v10, v2  }
0x105: {  	v16 =	vld [tilespmem:s23+$0x10050]  }
0x106: {  	v17 =	vld [tilespmem:s23+$0x50];
	v10 =	vadd.f32 v11, v10  }
0x107: {  	v19 =	vimm.f32 $0.0e+00;
	v20 =	vimm.f32 $0.0e+00;
	v13 =	vld [tilespmem:s23+$0x10040]  }
0x108: {  	s24 =	simm.s32 $0x200;
	v12 =	vld [tilespmem:s23+$0x10060];
	v18 =	vimm.f32 $0.0e+00;
	v21 =	vimm.f32 $0.0e+00;
	v11 =	vperm.xlane v10, v3  }
.LBB2_12:
0x109: {  	p0 =	sne.s32 s24, $0x1FE00;
	v29 =	vld [tilespmem:s23+$0x30]  }
0x10a: {  	v30 =	vld [tilespmem:s23+$0x10070]  }
0x10b: {  	v31 =	vld [tilespmem:s23+$0x70];
	s23 =	sshra.s32 s24, $0x2  }
0x10c: {  	v32 =	vmul.f32 v14, v13;
	v33 =	vmul.f32 v17, v16;
	v13 =	vld [tilespmem:s23+$0x10040]  }
0x10d: {  	v22 =	vmul.f32 v23, v22;
	v23 =	vmul.f32 v26, v24;
	v14 =	vld [tilespmem:s23+$0x40]  }
0x10e: {  	v24 =	vmul.f32 v27, v25;
	v16 =	vld [tilespmem:s23+$0x10050];
	v25 =	vmul.f32 v29, v28  }
0x10f: {  	v18 =	vadd.f32 v22, v18;
	v21 =	vadd.f32 v23, v21;
	v23 =	vmul.f32 v15, v12;
	v17 =	vld [tilespmem:s23+$0x50]  }
0x110: {  	v19 =	vadd.f32 v24, v19;
	v12 =	vld [tilespmem:s23+$0x10060];
	v20 =	vadd.f32 v25, v20;
	v24 =	vmul.f32 v31, v30  }
0x111: {  	v18 =	vadd.f32 v32, v18;
	v21 =	vadd.f32 v33, v21;
	v15 =	vld [tilespmem:s23+$0x60]  }
0x112: {  	v19 =	vadd.f32 v23, v19;
	v22 =	vld [tilespmem:s23+$0x10000];
	v20 =	vadd.f32 v24, v20  }
0x113: {  	v23 =	vld [tilespmem:s23+$0x0]  }
.Ltmp5:
0x114: {  	v24 =	vld [tilespmem:s23+$0x10010];
	(pc) =	sbr.rel @p0 .LBB2_12-.Ltmp5, $4  }
0x115: {  	v26 =	vld [tilespmem:s23+$0x10]  }
0x116: {  	v25 =	vld [tilespmem:s23+$0x10020]  }
0x117: {  	v27 =	vld [tilespmem:s23+$0x20]  }
0x118: {  	s24 =	sadd.s32 $0x200, s24;
	v28 =	vld [tilespmem:s23+$0x10030]  }
0x119: {  	v29 =	vld [tilespmem:s23+$0x30]  }
0x11a: {  	v30 =	vld [tilespmem:s23+$0x10070]  }
0x11b: {  	v31 =	vld [tilespmem:s23+$0x70]  }
0x11c: {  	v13 =	vmul.f32 v14, v13;
	v14 =	vmul.f32 v17, v16  }
0x11d: {  	v16 =	vmul.f32 v23, v22;
	v17 =	vmul.f32 v26, v24  }
0x11e: {  	v22 =	vmul.f32 v27, v25;
	v23 =	vmul.f32 v29, v28  }
0x11f: {  	v12 =	vmul.f32 v15, v12;
	v16 =	vadd.f32 v16, v18;
	v17 =	vadd.f32 v17, v21  }
0x120: {  	v15 =	vadd.f32 v22, v19;
	v19 =	vmul.f32 v31, v30;
	v18 =	vadd.f32 v23, v20  }
0x121: {  	v13 =	vadd.f32 v13, v16;
	v14 =	vadd.f32 v14, v17  }
0x122: {  	v12 =	vadd.f32 v12, v15;
	v15 =	vadd.f32 v19, v18;
	_ =	sdelay $0x1  }
0x123: {  	_ =	swait.ge [sflag:s18], $0x8000;
	v13 =	vadd.f32 v14, v13;
	v12 =	vadd.f32 v15, v12  }
0x124: {  	[sflag:s18] =	ssyncset.done $0x0  }
0x125: {  	s23 =	simm.s32 $0x0;
	[sflag:s18] =	ssyncadd.s32 $0xFFFF8000;
	v12 =	vadd.f32 v12, v13  }
0x126: {  	[tilespmem:s19], [sflag:$0x2] =	stream.strided.gather [hbm4b:s9+s14], $0x8000, s15, s14, $0x38;
	[tilespmem:$0x18080] =	vst v63  }
0x127: {  	v16 =	vld [tilespmem:s23+$0x40];
	v13 =	vperm.xlane v12, v0  }
0x128: {  	v24 =	vld [tilespmem:s23+$0x8000]  }
0x129: {  	v25 =	vld [tilespmem:s23+$0x0];
	v12 =	vadd.f32 v13, v12  }
0x12a: {  	v26 =	vld [tilespmem:s23+$0x8010]  }
0x12b: {  	v27 =	vld [tilespmem:s23+$0x8020];
	v13 =	vperm.xlane v12, v1  }
0x12c: {  	v17 =	vld [tilespmem:s23+$0x60]  }
0x12d: {  	v28 =	vld [tilespmem:s23+$0x10];
	v12 =	vadd.f32 v13, v12  }
0x12e: {  	v29 =	vld [tilespmem:s23+$0x20]  }
0x12f: {  	v30 =	vld [tilespmem:s23+$0x8030];
	v13 =	vperm.xlane v12, v2  }
0x130: {  	v18 =	vld [tilespmem:s23+$0x8050]  }
0x131: {  	v19 =	vld [tilespmem:s23+$0x50];
	v12 =	vadd.f32 v13, v12  }
0x132: {  	v21 =	vimm.f32 $0.0e+00;
	v22 =	vimm.f32 $0.0e+00;
	v15 =	vld [tilespmem:s23+$0x8040]  }
0x133: {  	s24 =	simm.s32 $0x200;
	v14 =	vld [tilespmem:s23+$0x8060];
	v20 =	vimm.f32 $0.0e+00;
	v23 =	vimm.f32 $0.0e+00;
	v13 =	vperm.xlane v12, v3  }
.LBB2_14:
0x134: {  	p0 =	sne.s32 s24, $0x1FE00;
	v31 =	vld [tilespmem:s23+$0x30]  }
0x135: {  	v32 =	vld [tilespmem:s23+$0x8070]  }
0x136: {  	v33 =	vld [tilespmem:s23+$0x70];
	s23 =	sshra.s32 s24, $0x2  }
0x137: {  	v34 =	vmul.f32 v16, v15;
	v35 =	vmul.f32 v19, v18;
	v15 =	vld [tilespmem:s23+$0x8040]  }
0x138: {  	v24 =	vmul.f32 v25, v24;
	v25 =	vmul.f32 v28, v26;
	v16 =	vld [tilespmem:s23+$0x40]  }
0x139: {  	v26 =	vmul.f32 v29, v27;
	v18 =	vld [tilespmem:s23+$0x8050];
	v27 =	vmul.f32 v31, v30  }
0x13a: {  	v20 =	vadd.f32 v24, v20;
	v23 =	vadd.f32 v25, v23;
	v25 =	vmul.f32 v17, v14;
	v19 =	vld [tilespmem:s23+$0x50]  }
0x13b: {  	v21 =	vadd.f32 v26, v21;
	v14 =	vld [tilespmem:s23+$0x8060];
	v22 =	vadd.f32 v27, v22;
	v26 =	vmul.f32 v33, v32  }
0x13c: {  	v20 =	vadd.f32 v34, v20;
	v23 =	vadd.f32 v35, v23;
	v17 =	vld [tilespmem:s23+$0x60]  }
0x13d: {  	v21 =	vadd.f32 v25, v21;
	v24 =	vld [tilespmem:s23+$0x8000];
	v22 =	vadd.f32 v26, v22  }
0x13e: {  	v25 =	vld [tilespmem:s23+$0x0]  }
.Ltmp6:
0x13f: {  	v26 =	vld [tilespmem:s23+$0x8010];
	(pc) =	sbr.rel @p0 .LBB2_14-.Ltmp6, $4  }
0x140: {  	v28 =	vld [tilespmem:s23+$0x10]  }
0x141: {  	v27 =	vld [tilespmem:s23+$0x8020]  }
0x142: {  	v29 =	vld [tilespmem:s23+$0x20]  }
0x143: {  	s24 =	sadd.s32 $0x200, s24;
	v30 =	vld [tilespmem:s23+$0x8030]  }
0x144: {  	v31 =	vld [tilespmem:s23+$0x30]  }
0x145: {  	v32 =	vld [tilespmem:s23+$0x8070]  }
0x146: {  	v33 =	vld [tilespmem:s23+$0x70]  }
0x147: {  	v15 =	vmul.f32 v16, v15;
	v16 =	vmul.f32 v19, v18  }
0x148: {  	v18 =	vmul.f32 v25, v24;
	v19 =	vmul.f32 v28, v26  }
0x149: {  	v24 =	vmul.f32 v29, v27;
	v25 =	vmul.f32 v31, v30  }
0x14a: {  	v14 =	vmul.f32 v17, v14;
	v18 =	vadd.f32 v18, v20;
	v19 =	vadd.f32 v19, v23  }
0x14b: {  	v17 =	vadd.f32 v24, v21;
	v21 =	vmul.f32 v33, v32;
	v20 =	vadd.f32 v25, v22  }
0x14c: {  	v15 =	vadd.f32 v15, v18;
	v16 =	vadd.f32 v16, v19  }
0x14d: {  	v14 =	vadd.f32 v14, v17;
	v17 =	vadd.f32 v21, v20;
	_ =	sdelay $0x1  }
0x14e: {  	_ =	swait.ge [sflag:s20], $0x8000;
	v15 =	vadd.f32 v16, v15;
	v14 =	vadd.f32 v17, v14  }
0x14f: {  	[sflag:s20] =	ssyncset.done $0x0  }
0x150: {  	s23 =	simm.s32 $0x0;
	[sflag:s20] =	ssyncadd.s32 $0xFFFF8000;
	v14 =	vadd.f32 v14, v15  }
0x151: {  	[tilespmem:s16], [sflag:$0x1] =	stream.strided.gather [hbm4b:s10+s14], $0x8000, s15, s14, $0x38;
	[tilespmem:$0x18080] =	vst v63  }
0x152: {  	v18 =	vld [tilespmem:s23+$0x40];
	v15 =	vperm.xlane v14, v0  }
0x153: {  	v26 =	vld [tilespmem:s23+$0x10000]  }
0x154: {  	v27 =	vld [tilespmem:s23+$0x0];
	v14 =	vadd.f32 v15, v14  }
0x155: {  	v28 =	vld [tilespmem:s23+$0x10010]  }
0x156: {  	v29 =	vld [tilespmem:s23+$0x10020];
	v15 =	vperm.xlane v14, v1  }
0x157: {  	v19 =	vld [tilespmem:s23+$0x60]  }
0x158: {  	v30 =	vld [tilespmem:s23+$0x10];
	v14 =	vadd.f32 v15, v14  }
0x159: {  	v31 =	vld [tilespmem:s23+$0x20]  }
0x15a: {  	v32 =	vld [tilespmem:s23+$0x10030];
	v15 =	vperm.xlane v14, v2  }
0x15b: {  	v20 =	vld [tilespmem:s23+$0x10050]  }
0x15c: {  	v21 =	vld [tilespmem:s23+$0x50];
	v14 =	vadd.f32 v15, v14  }
0x15d: {  	v23 =	vimm.f32 $0.0e+00;
	v24 =	vimm.f32 $0.0e+00;
	v17 =	vld [tilespmem:s23+$0x10040]  }
0x15e: {  	s24 =	simm.s32 $0x200;
	v16 =	vld [tilespmem:s23+$0x10060];
	v22 =	vimm.f32 $0.0e+00;
	v25 =	vimm.f32 $0.0e+00;
	v15 =	vperm.xlane v14, v3  }
.LBB2_16:
0x15f: {  	p0 =	sne.s32 s24, $0x1FE00;
	v33 =	vld [tilespmem:s23+$0x30]  }
0x160: {  	v34 =	vld [tilespmem:s23+$0x10070]  }
0x161: {  	v35 =	vld [tilespmem:s23+$0x70];
	s23 =	sshra.s32 s24, $0x2  }
0x162: {  	v36 =	vmul.f32 v18, v17;
	v37 =	vmul.f32 v21, v20;
	v17 =	vld [tilespmem:s23+$0x10040]  }
0x163: {  	v26 =	vmul.f32 v27, v26;
	v27 =	vmul.f32 v30, v28;
	v18 =	vld [tilespmem:s23+$0x40]  }
0x164: {  	v28 =	vmul.f32 v31, v29;
	v20 =	vld [tilespmem:s23+$0x10050];
	v29 =	vmul.f32 v33, v32  }
0x165: {  	v22 =	vadd.f32 v26, v22;
	v25 =	vadd.f32 v27, v25;
	v27 =	vmul.f32 v19, v16;
	v21 =	vld [tilespmem:s23+$0x50]  }
0x166: {  	v23 =	vadd.f32 v28, v23;
	v16 =	vld [tilespmem:s23+$0x10060];
	v24 =	vadd.f32 v29, v24;
	v28 =	vmul.f32 v35, v34  }
0x167: {  	v22 =	vadd.f32 v36, v22;
	v25 =	vadd.f32 v37, v25;
	v19 =	vld [tilespmem:s23+$0x60]  }
0x168: {  	v23 =	vadd.f32 v27, v23;
	v26 =	vld [tilespmem:s23+$0x10000];
	v24 =	vadd.f32 v28, v24  }
0x169: {  	v27 =	vld [tilespmem:s23+$0x0]  }
.Ltmp7:
0x16a: {  	v28 =	vld [tilespmem:s23+$0x10010];
	(pc) =	sbr.rel @p0 .LBB2_16-.Ltmp7, $4  }
0x16b: {  	v30 =	vld [tilespmem:s23+$0x10]  }
0x16c: {  	v29 =	vld [tilespmem:s23+$0x10020]  }
0x16d: {  	v31 =	vld [tilespmem:s23+$0x20]  }
0x16e: {  	s24 =	sadd.s32 $0x200, s24;
	v32 =	vld [tilespmem:s23+$0x10030]  }
0x16f: {  	v33 =	vld [tilespmem:s23+$0x30]  }
0x170: {  	v34 =	vld [tilespmem:s23+$0x10070]  }
0x171: {  	v35 =	vld [tilespmem:s23+$0x70]  }
0x172: {  	v17 =	vmul.f32 v18, v17;
	v18 =	vmul.f32 v21, v20  }
0x173: {  	v20 =	vmul.f32 v27, v26;
	v21 =	vmul.f32 v30, v28  }
0x174: {  	v26 =	vmul.f32 v31, v29;
	v27 =	vmul.f32 v33, v32  }
0x175: {  	v16 =	vmul.f32 v19, v16;
	v20 =	vadd.f32 v20, v22;
	v21 =	vadd.f32 v21, v25  }
0x176: {  	v19 =	vadd.f32 v26, v23;
	v23 =	vmul.f32 v35, v34;
	v22 =	vadd.f32 v27, v24  }
0x177: {  	v17 =	vadd.f32 v17, v20;
	v18 =	vadd.f32 v18, v21  }
0x178: {  	v16 =	vadd.f32 v16, v19;
	v19 =	vadd.f32 v23, v22;
	_ =	sdelay $0x1  }
0x179: {  	_ =	swait.ge [sflag:s18], $0x8000;
	v17 =	vadd.f32 v18, v17;
	v16 =	vadd.f32 v19, v16  }
0x17a: {  	[sflag:s18] =	ssyncset.done $0x0  }
0x17b: {  	s23 =	simm.s32 $0x0;
	[sflag:s18] =	ssyncadd.s32 $0xFFFF8000;
	v16 =	vadd.f32 v16, v17  }
0x17c: {  	[tilespmem:s19], [sflag:$0x2] =	stream.strided.gather [hbm4b:s11+s14], $0x8000, s15, s14, $0x38;
	[tilespmem:$0x18080] =	vst v63  }
0x17d: {  	v20 =	vld [tilespmem:s23+$0x40];
	v17 =	vperm.xlane v16, v0  }
0x17e: {  	v28 =	vld [tilespmem:s23+$0x8000]  }
0x17f: {  	v29 =	vld [tilespmem:s23+$0x0];
	v16 =	vadd.f32 v17, v16  }
0x180: {  	v30 =	vld [tilespmem:s23+$0x8010]  }
0x181: {  	v31 =	vld [tilespmem:s23+$0x8020];
	v17 =	vperm.xlane v16, v1  }
0x182: {  	v21 =	vld [tilespmem:s23+$0x60]  }
0x183: {  	v32 =	vld [tilespmem:s23+$0x10];
	v16 =	vadd.f32 v17, v16  }
0x184: {  	v33 =	vld [tilespmem:s23+$0x20]  }
0x185: {  	v34 =	vld [tilespmem:s23+$0x8030];
	v17 =	vperm.xlane v16, v2  }
0x186: {  	v22 =	vld [tilespmem:s23+$0x8050]  }
0x187: {  	v23 =	vld [tilespmem:s23+$0x50];
	v16 =	vadd.f32 v17, v16  }
0x188: {  	v25 =	vimm.f32 $0.0e+00;
	v26 =	vimm.f32 $0.0e+00;
	v19 =	vld [tilespmem:s23+$0x8040]  }
0x189: {  	s24 =	simm.s32 $0x200;
	v18 =	vld [tilespmem:s23+$0x8060];
	v24 =	vimm.f32 $0.0e+00;
	v27 =	vimm.f32 $0.0e+00;
	v17 =	vperm.xlane v16, v3  }
.LBB2_18:
0x18a: {  	p0 =	sne.s32 s24, $0x1FE00;
	v35 =	vld [tilespmem:s23+$0x30]  }
0x18b: {  	v36 =	vld [tilespmem:s23+$0x8070]  }
0x18c: {  	v37 =	vld [tilespmem:s23+$0x70];
	s23 =	sshra.s32 s24, $0x2  }
0x18d: {  	v38 =	vmul.f32 v20, v19;
	v39 =	vmul.f32 v23, v22;
	v19 =	vld [tilespmem:s23+$0x8040]  }
0x18e: {  	v28 =	vmul.f32 v29, v28;
	v29 =	vmul.f32 v32, v30;
	v20 =	vld [tilespmem:s23+$0x40]  }
0x18f: {  	v30 =	vmul.f32 v33, v31;
	v22 =	vld [tilespmem:s23+$0x8050];
	v31 =	vmul.f32 v35, v34  }
0x190: {  	v24 =	vadd.f32 v28, v24;
	v27 =	vadd.f32 v29, v27;
	v29 =	vmul.f32 v21, v18;
	v23 =	vld [tilespmem:s23+$0x50]  }
0x191: {  	v25 =	vadd.f32 v30, v25;
	v18 =	vld [tilespmem:s23+$0x8060];
	v26 =	vadd.f32 v31, v26;
	v30 =	vmul.f32 v37, v36  }
0x192: {  	v24 =	vadd.f32 v38, v24;
	v27 =	vadd.f32 v39, v27;
	v21 =	vld [tilespmem:s23+$0x60]  }
0x193: {  	v25 =	vadd.f32 v29, v25;
	v28 =	vld [tilespmem:s23+$0x8000];
	v26 =	vadd.f32 v30, v26  }
0x194: {  	v29 =	vld [tilespmem:s23+$0x0]  }
.Ltmp8:
0x195: {  	v30 =	vld [tilespmem:s23+$0x8010];
	(pc) =	sbr.rel @p0 .LBB2_18-.Ltmp8, $4  }
0x196: {  	v32 =	vld [tilespmem:s23+$0x10]  }
0x197: {  	v31 =	vld [tilespmem:s23+$0x8020]  }
0x198: {  	v33 =	vld [tilespmem:s23+$0x20]  }
0x199: {  	s24 =	sadd.s32 $0x200, s24;
	v34 =	vld [tilespmem:s23+$0x8030]  }
0x19a: {  	v35 =	vld [tilespmem:s23+$0x30]  }
0x19b: {  	v36 =	vld [tilespmem:s23+$0x8070]  }
0x19c: {  	v37 =	vld [tilespmem:s23+$0x70]  }
0x19d: {  	v19 =	vmul.f32 v20, v19;
	v20 =	vmul.f32 v23, v22  }
0x19e: {  	v22 =	vmul.f32 v29, v28;
	v23 =	vmul.f32 v32, v30  }
0x19f: {  	v28 =	vmul.f32 v33, v31;
	v29 =	vmul.f32 v35, v34  }
0x1a0: {  	v18 =	vmul.f32 v21, v18;
	v22 =	vadd.f32 v22, v24;
	v23 =	vadd.f32 v23, v27  }
0x1a1: {  	v21 =	vadd.f32 v28, v25;
	v25 =	vmul.f32 v37, v36;
	v24 =	vadd.f32 v29, v26  }
0x1a2: {  	v19 =	vadd.f32 v19, v22;
	v20 =	vadd.f32 v20, v23  }
0x1a3: {  	v18 =	vadd.f32 v18, v21;
	v21 =	vadd.f32 v25, v24;
	_ =	sdelay $0x1  }
0x1a4: {  	v19 =	vadd.f32 v20, v19;
	v18 =	vadd.f32 v21, v18  }
0x1a5: {  	_ =	swait.ge [sflag:s20], $0x8000  }
0x1a6: {  	[sflag:s20] =	ssyncset.done $0x0;
	v18 =	vadd.f32 v18, v19  }
0x1a7: {  	s23 =	simm.s32 $0x0;
	[sflag:s20] =	ssyncadd.s32 $0xFFFF8000  }
0x1a8: {  	v30 =	vld [tilespmem:s23+$0x10000];
	v19 =	vperm.xlane v18, v0  }
0x1a9: {  	v31 =	vld [tilespmem:s23+$0x0]  }
0x1aa: {  	v32 =	vld [tilespmem:s23+$0x10010];
	v18 =	vadd.f32 v19, v18  }
0x1ab: {  	v33 =	vld [tilespmem:s23+$0x10020]  }
0x1ac: {  	v22 =	vld [tilespmem:s23+$0x40];
	v19 =	vperm.xlane v18, v1  }
0x1ad: {  	v23 =	vld [tilespmem:s23+$0x60]  }
0x1ae: {  	v34 =	vld [tilespmem:s23+$0x10];
	v18 =	vadd.f32 v19, v18  }
0x1af: {  	v35 =	vld [tilespmem:s23+$0x20]  }
0x1b0: {  	v36 =	vld [tilespmem:s23+$0x10030];
	v19 =	vperm.xlane v18, v2  }
0x1b1: {  	v24 =	vld [tilespmem:s23+$0x10050]  }
0x1b2: {  	v25 =	vld [tilespmem:s23+$0x50];
	v18 =	vadd.f32 v19, v18  }
0x1b3: {  	v27 =	vimm.f32 $0.0e+00;
	v28 =	vimm.f32 $0.0e+00;
	v21 =	vld [tilespmem:s23+$0x10040]  }
0x1b4: {  	s24 =	simm.s32 $0x200;
	v20 =	vld [tilespmem:s23+$0x10060];
	v26 =	vimm.f32 $0.0e+00;
	v29 =	vimm.f32 $0.0e+00;
	v19 =	vperm.xlane v18, v3  }
.LBB2_20:
0x1b5: {  	p0 =	sne.s32 s24, $0x1FE00;
	v37 =	vld [tilespmem:s23+$0x30]  }
0x1b6: {  	v38 =	vld [tilespmem:s23+$0x10070]  }
0x1b7: {  	v39 =	vld [tilespmem:s23+$0x70];
	s23 =	sshra.s32 s24, $0x2  }
0x1b8: {  	v40 =	vmul.f32 v22, v21;
	v41 =	vmul.f32 v25, v24;
	v21 =	vld [tilespmem:s23+$0x10040]  }
0x1b9: {  	v30 =	vmul.f32 v31, v30;
	v31 =	vmul.f32 v34, v32;
	v22 =	vld [tilespmem:s23+$0x40]  }
0x1ba: {  	v32 =	vmul.f32 v35, v33;
	v24 =	vld [tilespmem:s23+$0x10050];
	v33 =	vmul.f32 v37, v36  }
0x1bb: {  	v26 =	vadd.f32 v30, v26;
	v29 =	vadd.f32 v31, v29;
	v31 =	vmul.f32 v23, v20;
	v25 =	vld [tilespmem:s23+$0x50]  }
0x1bc: {  	v27 =	vadd.f32 v32, v27;
	v20 =	vld [tilespmem:s23+$0x10060];
	v28 =	vadd.f32 v33, v28;
	v32 =	vmul.f32 v39, v38  }
0x1bd: {  	v26 =	vadd.f32 v40, v26;
	v29 =	vadd.f32 v41, v29;
	v23 =	vld [tilespmem:s23+$0x60]  }
0x1be: {  	v27 =	vadd.f32 v31, v27;
	v30 =	vld [tilespmem:s23+$0x10000];
	v28 =	vadd.f32 v32, v28  }
0x1bf: {  	v31 =	vld [tilespmem:s23+$0x0]  }
.Ltmp9:
0x1c0: {  	v32 =	vld [tilespmem:s23+$0x10010];
	(pc) =	sbr.rel @p0 .LBB2_20-.Ltmp9, $4  }
0x1c1: {  	v34 =	vld [tilespmem:s23+$0x10]  }
0x1c2: {  	v33 =	vld [tilespmem:s23+$0x10020]  }
0x1c3: {  	v35 =	vld [tilespmem:s23+$0x20]  }
0x1c4: {  	s24 =	sadd.s32 $0x200, s24;
	v36 =	vld [tilespmem:s23+$0x10030]  }
0x1c5: {  	v37 =	vld [tilespmem:s23+$0x30]  }
0x1c6: {  	v38 =	vld [tilespmem:s23+$0x10070]  }
0x1c7: {  	v39 =	vld [tilespmem:s23+$0x70]  }
0x1c8: {  	v21 =	vmul.f32 v22, v21;
	v42 =	vmul.f32 v25, v24  }
0x1c9: {  	v43 =	vmul.f32 v31, v30;
	v44 =	vmul.f32 v34, v32  }
0x1ca: {  	v45 =	vmul.f32 v35, v33;
	v46 =	vmul.f32 v37, v36  }
0x1cb: {  	v20 =	vmul.f32 v23, v20;
	v24 =	vadd.f32 v43, v26;
	v25 =	vadd.f32 v44, v29  }
0x1cc: {  	v47 =	vadd.f32 v45, v27;
	v49 =	vmul.f32 v39, v38;
	v48 =	vadd.f32 v46, v28  }
0x1cd: {  	v21 =	vadd.f32 v21, v24;
	v22 =	vadd.f32 v42, v25  }
0x1ce: {  	v20 =	vadd.f32 v20, v47;
	v50 =	vadd.f32 v49, v48  }
0x1cf: {  	v4 =	vadd.f32 v5, v4  }
0x1d0: {  	v5 =	vadd.f32 v22, v21;
	v20 =	vadd.f32 v50, v20;
	_ =	sdelay $0x1  }
0x1d1: {  	(erf) = vrcp.f32 v4;
	v4 =	vadd.f32 v20, v5;
	_ =	sdelay $0x1  }
0x1d2: {  	v5 =	vperm.xlane v4, v0;
	_ =	sdelay $0x1  }
0x1d3: {  	v4 =	vadd.f32 v5, v4;
	_ =	sdelay $0x1  }
0x1d4: {  	v5 =	vperm.xlane v4, v1;
	_ =	sdelay $0x1  }
0x1d5: {  	v4 =	vadd.f32 v5, v4  }
0x1d6: {  	v6 =	vadd.f32 v7, v6  }
0x1d7: {  	v51 =	vadd.f32 v9, v8;
	v5 =	vpop (erf);
	v52 =	vperm.xlane v4, v2  }
0x1d8: {  	v53 =	vadd.f32 v11, v10;
	v54 =	vadd.f32 v13, v12;
	v6 =	vmul.f32 v6, v5  }
0x1d9: {  	v56 =	vadd.f32 v15, v14;
	v7 =	vmul.f32 v51, v5;
	v4 =	vadd.f32 v52, v4  }
0x1da: {  	v58 =	vadd.f32 v17, v16;
	v55 =	vmul.f32 v53, v5;
	v6 =	vnsel vm7, $0x0, v6  }
0x1db: {  	v57 =	vmul.f32 v54, v5;
	v6 =	vsel vm0, v6, v7;
	v59 =	vperm.xlane v4, v3  }
0x1dc: {  	v61 =	vadd.f32 v19, v18;
	v60 =	vmul.f32 v56, v5;
	v6 =	vsel vm1, v6, v55  }
0x1dd: {  	v62 =	vmul.f32 v58, v5;
	v6 =	vsel vm2, v6, v57;
	v4 =	vadd.f32 v59, v4  }
0x1de: {  	v63 =	vmul.f32 v61, v5;
	v6 =	vsel vm3, v6, v60  }
0x1df: {  	v6 =	vsel vm4, v6, v62;
	v4 =	vmul.f32 v4, v5  }
0x1e0: {  	s22 =	sadd.s32 $0x1, s22;
	v5 =	vsel vm5, v6, v63  }
0x1e1: {  	p0 =	sne.s32 s22, s13;
	v4 =	vsel vm6, v5, v4  }
.Ltmp10:
0x1e2: {  	[tilespmem:$0x18000] =	vst v4;
	(pc) =	sbr.rel @p0 .LBB2_1-.Ltmp10, $4  }
0x1e3: {  	[hbm4b:s12+s3] =	stream.linear.scatter [tilespmem:s21], [sflag:$0x3], $0x80, $0x38;
	[tilespmem:$0x18080] =	vst v63  }
0x1e4: {  	_ =	swait.ge [sflag:s17], $0x80  }
0x1e5: {  	[sflag:s17] =	ssyncset.done $0x0  }
0x1e6: {  	[sflag:s17] =	ssyncadd.s32 $0xFFFFFF80  }
0x1e7: {  	_ =	sfence.sel $0x180000  }
0x1e8: {  	[bflag:$0x0] =	sbarrier.arrive $0xFFFF  }
0x1e9: {  	p0 =	sne.s32 s0, $0x0;
	_ =	strace $0x90000047  }
0x1ea: {  	s0 =	sadd.s32 @!p0 $0x100000, s2;
	[bflag:$0x2] =	sbarrier.arrive $0xFFFF  }
0x1eb: {  	[sflag:s0] =	ssyncadd.tile.s32 @!p0 $0x1;
	_ =	shalt  }
.Lfunc_end2:
_tile_overlayer_lowered:
.L_overlay_start_2:
0x1ec: {  	(tag) =	ssettag $0x2  }
0x1ed: {  	s0 =	rddreg [dreg:$0x0];
	s2 =	stileid.u32  }
0x1ee: {  	s1 =	rddreg [dreg:$0x1];
	p0 =	sne.s32 s2, $0x0  }
0x1ef: {  	s3 =	rddreg [dreg:$0x2];
	[bflag:$0x3] =	sbarrier.arrive $0xFFFF;
	s2 =	simm.s32 @!p0 $0x1C03  }
0x1f0: {  	[timem:s3], [sflag:s2] =	dma.local @!p0 [hbm:s0], s1  }
0x1f1: {  	s0 =	simm.s32 @!p0 $0x3  }
0x1f2: {  	_ =	swait.ge @!p0 [sflag:s0], s1  }
0x1f3: {  	s1 =	ssub.s32 @!p0 $0x0, s1;
	[sflag:s0] =	ssyncset.done @!p0 $0x0  }
0x1f4: {  	[sflag:s0] =	ssyncadd.s32 @!p0 s1  }
0x1f5: {  	[bflag:$0x3] =	sbarrier.arrive $0xFFFF  }
0x1f6: {  	_ =	shalt  }

</sc_bundles>
